<compile_context>
chip_gen: v7x
topology: tpu7x:2x2x1
jax: 0.10.2.dev20260603
libtpu: 0.0.44.dev20260713+nightly
codegen_flags: <defaults>
</compile_context>

<pallas_src>
import functools

import jax
import jax.numpy as jnp
from jax import lax
from jax.experimental import pallas as pl
from jax.experimental.pallas import tpu as pltpu
from jax.experimental.pallas import tpu_sc as plsc

_CH = 128
_NC = 2
_NS = 16
_NTILE = _NC * _NS


def _leaky(v):
    return jnp.where(v >= 0, v, 0.01 * v)


def _input_transform(x, wcat, t, b, wrel, NT, H, NPAD):
    N, D = x.shape
    YW = NT * H

    def body(x_ref, w_ref, t_ref, b_ref, r_ref, o_ref):
        y = jnp.dot(x_ref[...], w_ref[...], preferred_element_type=jnp.float32)
        cc = lax.broadcasted_iota(jnp.int32, (N, YW), 1) // H
        sel = jnp.where(cc == t_ref[...], y, 0.0)
        ri = lax.broadcasted_iota(jnp.int32, (YW, H), 0) % H
        ci = lax.broadcasted_iota(jnp.int32, (YW, H), 1)
        S = (ri == ci).astype(jnp.float32)
        h = jnp.dot(sel, S, preferred_element_type=jnp.float32)
        hr = _leaky(h + b_ref[...])
        o_ref[:N, :] = jnp.dot(hr, r_ref[...],
                               preferred_element_type=jnp.float32)
        o_ref[N:, :] = jnp.zeros((NPAD - N, H), jnp.float32)

    return pl.pallas_call(
        body,
        out_shape=jax.ShapeDtypeStruct((NPAD, H), jnp.float32),
    )(x, wcat, t, b.reshape(1, H), wrel)


def _mp_common(hsh, agg, src_v, dst_v, rows, gsem, ssem, KPT, NB, AHEAD):
    for u in range(AHEAD):
        pltpu.async_copy(hsh.at[src_v.at[u]], rows[u], gsem[u])

    def outer(o, carry):
        base = NB * o
        for u in range(NB):
            i = base + u
            v = (u + AHEAD) % NB
            pltpu.make_async_copy(
                hsh.at[src_v.at[i]], rows[u], gsem[u]).wait()
            pltpu.async_copy(
                rows[u], agg.at[dst_v.at[i]], ssem[u], add=True)

            @pl.when(i - AHEAD >= 0)
            def _():
                pltpu.make_async_copy(
                    rows[v], agg.at[dst_v.at[i - AHEAD]], ssem[v]).wait()

            @pl.when(i + AHEAD < KPT)
            def _():
                pltpu.async_copy(
                    hsh.at[src_v.at[i + AHEAD]], rows[v], gsem[v])
        return carry

    lax.fori_loop(0, KPT // NB, outer, 0)
    for k in range(AHEAD):
        i = KPT - AHEAD + k
        u = i % NB
        pltpu.make_async_copy(
            rows[u], agg.at[dst_v.at[i]], ssem[u]).wait()


def _make_mp_round1(N, H, KPT, NPAD):
    mesh = plsc.VectorSubcoreMesh(core_axis_name="c", subcore_axis_name="s")
    rpt = NPAD // _NS

    NB = 8
    AHEAD = 4
    assert KPT % NB == 0

    @functools.partial(
        pl.kernel,
        out_type=jax.ShapeDtypeStruct((_NC * NPAD, H), jnp.float32),
        mesh=mesh,
        scratch_types=(
            [pltpu.VMEM((KPT, _CH), jnp.int32)] * 2
            + [pltpu.VMEM((_CH, H), jnp.float32)] * NB
            + [pltpu.VMEM_SHARED((NPAD, H), jnp.float32)]
            + [pltpu.VMEM_SHARED((NPAD, H), jnp.float32)]
            + [pltpu.SemaphoreType.DMA] * (2 * NB + 4)
        ),
        compiler_params=pltpu.CompilerParams(use_tc_tiling_on_sc=False),
    )
    def mp(h_hbm, src_hbm, dst_hbm, zero_hbm, out_hbm, src_v, dst_v, *rest):
        rows = rest[:NB]
        agg = rest[NB]
        hsh = rest[NB + 1]
        gsem = rest[NB + 2:2 * NB + 2]
        ssem = rest[2 * NB + 2:3 * NB + 2]
        psem = rest[3 * NB + 2:]
        c = lax.axis_index("c")
        s = lax.axis_index("s")
        wid = c * _NS + s
        pltpu.async_copy(h_hbm.at[pl.ds(s * rpt, rpt)],
                         hsh.at[pl.ds(s * rpt, rpt)], psem[0])
        pltpu.async_copy(zero_hbm.at[pl.ds(s * rpt, rpt)],
                         agg.at[pl.ds(s * rpt, rpt)], psem[1])
        pltpu.async_copy(src_hbm.at[pl.ds(wid * KPT, KPT)], src_v, psem[2])
        pltpu.async_copy(dst_hbm.at[pl.ds(wid * KPT, KPT)], dst_v, psem[3])
        pltpu.make_async_copy(h_hbm.at[pl.ds(s * rpt, rpt)],
                              hsh.at[pl.ds(s * rpt, rpt)], psem[0]).wait()
        pltpu.make_async_copy(zero_hbm.at[pl.ds(s * rpt, rpt)],
                              agg.at[pl.ds(s * rpt, rpt)], psem[1]).wait()
        pltpu.make_async_copy(src_hbm.at[pl.ds(wid * KPT, KPT)],
                              src_v, psem[2]).wait()
        pltpu.make_async_copy(dst_hbm.at[pl.ds(wid * KPT, KPT)],
                              dst_v, psem[3]).wait()
        plsc.subcore_barrier()

        _mp_common(hsh, agg, src_v, dst_v, rows, gsem, ssem, KPT, NB, AHEAD)

        plsc.subcore_barrier()
        pltpu.sync_copy(agg.at[pl.ds(s * rpt, rpt)],
                        out_hbm.at[pl.ds(c * NPAD + s * rpt, rpt)])

    return mp


def _make_mp_round2(N, H, KPT, NPAD):
    mesh = plsc.VectorSubcoreMesh(core_axis_name="c", subcore_axis_name="s")
    rpt = NPAD // _NS

    NB = 8
    AHEAD = 4
    assert KPT % NB == 0

    @functools.partial(
        pl.kernel,
        out_type=jax.ShapeDtypeStruct((_NC * NPAD, H), jnp.float32),
        mesh=mesh,
        scratch_types=(
            [pltpu.VMEM((KPT, _CH), jnp.int32)] * 2
            + [pltpu.VMEM((_CH, H), jnp.float32)] * NB
            + [pltpu.VMEM((NPAD // _NS, H), jnp.float32)] * 2
            + [pltpu.VMEM_SHARED((NPAD, H), jnp.float32)]
            + [pltpu.VMEM_SHARED((NPAD, H), jnp.float32)]
            + [pltpu.SemaphoreType.DMA] * (2 * NB + 5)
        ),
        compiler_params=pltpu.CompilerParams(use_tc_tiling_on_sc=False),
    )
    def mp(p_hbm, src_hbm, dst_hbm, zero_hbm, out_hbm, src_v, dst_v, *rest):
        rows = rest[:NB]
        a_v = rest[NB]
        b_v = rest[NB + 1]
        agg = rest[NB + 2]
        hsh = rest[NB + 3]
        gsem = rest[NB + 4:2 * NB + 4]
        ssem = rest[2 * NB + 4:3 * NB + 4]
        psem = rest[3 * NB + 4:]
        c = lax.axis_index("c")
        s = lax.axis_index("s")
        wid = c * _NS + s
        pltpu.async_copy(p_hbm.at[pl.ds(s * rpt, rpt)], a_v, psem[0])
        pltpu.async_copy(p_hbm.at[pl.ds(NPAD + s * rpt, rpt)], b_v, psem[1])
        pltpu.async_copy(zero_hbm.at[pl.ds(s * rpt, rpt)],
                         agg.at[pl.ds(s * rpt, rpt)], psem[2])
        pltpu.async_copy(src_hbm.at[pl.ds(wid * KPT, KPT)], src_v, psem[3])
        pltpu.async_copy(dst_hbm.at[pl.ds(wid * KPT, KPT)], dst_v, psem[4])
        pltpu.make_async_copy(p_hbm.at[pl.ds(s * rpt, rpt)],
                              a_v, psem[0]).wait()
        pltpu.make_async_copy(p_hbm.at[pl.ds(NPAD + s * rpt, rpt)],
                              b_v, psem[1]).wait()

        def mid(r, carry):
            v = a_v[r] + b_v[r]
            a_v[r] = jnp.where(v >= 0, v, 0.01 * v)
            return carry

        lax.fori_loop(0, rpt, mid, 0)
        pltpu.sync_copy(a_v, hsh.at[pl.ds(s * rpt, rpt)])
        pltpu.make_async_copy(zero_hbm.at[pl.ds(s * rpt, rpt)],
                              agg.at[pl.ds(s * rpt, rpt)], psem[2]).wait()
        pltpu.make_async_copy(src_hbm.at[pl.ds(wid * KPT, KPT)],
                              src_v, psem[3]).wait()
        pltpu.make_async_copy(dst_hbm.at[pl.ds(wid * KPT, KPT)],
                              dst_v, psem[4]).wait()
        plsc.subcore_barrier()

        _mp_common(hsh, agg, src_v, dst_v, rows, gsem, ssem, KPT, NB, AHEAD)

        plsc.subcore_barrier()
        pltpu.sync_copy(agg.at[pl.ds(s * rpt, rpt)],
                        out_hbm.at[pl.ds(c * NPAD + s * rpt, rpt)])

    return mp


def _head(q, wh, bh, wo, bo, wlog_t, blog, N, NPAD, H, OUT):
    def body(q_ref, wh_ref, bh_ref, wo_ref, bo_ref, wl_ref, bl_ref,
             out_ref, emb_ref):
        v = q_ref[:NPAD, :] + q_ref[NPAD:, :]
        h2 = _leaky(
            jnp.dot(v, wh_ref[...], preferred_element_type=jnp.float32)
            + bh_ref[...])
        hn = jnp.dot(h2[:N, :], wo_ref[...],
                     preferred_element_type=jnp.float32)
        g = jnp.sum(hn, axis=0, keepdims=True) / N + bo_ref[...]
        emb = _leaky(g)
        logit = jnp.sum(emb * wl_ref[...], axis=1, keepdims=True) + bl_ref[...]
        out_ref[...] = jax.nn.sigmoid(logit)
        emb_ref[...] = emb

    return pl.pallas_call(
        body,
        out_shape=(jax.ShapeDtypeStruct((1, 1), jnp.float32),
                   jax.ShapeDtypeStruct((1, OUT), jnp.float32)),
    )(q, wh, bh.reshape(1, H), wo, bo.reshape(1, OUT),
      wlog_t, blog.reshape(1, 1))


def kernel(x, edge_index, node_types, edge_types, W_in, b_in, W_rel,
           W_hid, b_hid, W_out, b_out, W_log, b_log):
    N, D = x.shape
    NT, _, H = W_in.shape
    OUT = W_out.shape[1]
    E = edge_index.shape[1]

    npad = -(-N // (_NS * 8)) * (_NS * 8)
    wcat = jnp.transpose(W_in, (1, 0, 2)).reshape(D, NT * H)
    hr = _input_transform(x, wcat, node_types.reshape(N, 1), b_in,
                          W_rel[0], NT, H, npad)

    nchunk = -(-E // _CH)
    kpt = -(-nchunk // _NTILE)
    kpt = -(-kpt // 8) * 8
    epad = kpt * _NTILE * _CH
    src = jnp.concatenate(
        [edge_index[0], jnp.zeros((epad - E,), jnp.int32)]).reshape(-1, _CH)
    dst = jnp.concatenate(
        [edge_index[1], jnp.full((epad - E,), N, jnp.int32)]).reshape(-1, _CH)
    zeros = jnp.zeros((npad, H), jnp.float32)

    p = _make_mp_round1(N, H, kpt, npad)(hr, src, dst, zeros)
    q = _make_mp_round2(N, H, kpt, npad)(p, src, dst, zeros)
    out, emb = _head(q, W_hid, b_hid, W_out, b_out,
                     jnp.transpose(W_log), b_log, N, npad, H, OUT)
    return out, emb.reshape(OUT)

# --- scband reference (transcript-rebuilt; emitter-appended) ---
"""Pipeline reference for scband-het-gcn-11-86612310491945 (READ-ONLY COPY).

The authoritative reference and input builder live on the scoring server;
editing this copy changes nothing except your own understanding.
"""

import jax, jax.numpy as jnp
import numpy as np

N = 10000
E = 320000
D = 128
H = 16
OUT = 32
NT = 7
ET = 1


def setup_inputs(seed: int = 0) -> dict:
    key = jax.random.key(seed)
    ks = jax.random.split(key, 13)
    x = jax.random.normal(ks[0], (N, D), dtype=jnp.float32)
    edge_index = jax.random.randint(ks[1], (2, E), 0, N, dtype=jnp.int32)
    node_types = jax.random.randint(ks[2], (N,), 0, NT, dtype=jnp.int32)
    edge_types = jax.random.randint(ks[3], (E,), 0, ET, dtype=jnp.int32)
    # learned parameters (HetGCNConv_11 per-source-type input transforms,
    # relational edge-type transforms, hidden conv layer, output projection,
    # final logistic head)
    W_in = jax.random.normal(ks[4], (NT, D, H), dtype=jnp.float32) * 0.05
    b_in = jnp.zeros((H,), dtype=jnp.float32)
    W_rel = jax.random.normal(ks[5], (ET, H, H), dtype=jnp.float32) * 0.1
    W_hid = jax.random.normal(ks[6], (H, H), dtype=jnp.float32) * 0.1
    b_hid = jnp.zeros((H,), dtype=jnp.float32)
    W_out = jax.random.normal(ks[7], (H, OUT), dtype=jnp.float32) * 0.1
    b_out = jnp.zeros((OUT,), dtype=jnp.float32)
    W_log = jax.random.normal(ks[8], (OUT, 1), dtype=jnp.float32) * 0.1
    b_log = jnp.zeros((1,), dtype=jnp.float32)
    return {
        'x': x, 'edge_index': edge_index, 'node_types': node_types,
        'edge_types': edge_types, 'W_in': W_in, 'b_in': b_in, 'W_rel': W_rel,
        'W_hid': W_hid, 'b_hid': b_hid, 'W_out': W_out, 'b_out': b_out,
        'W_log': W_log, 'b_log': b_log,
    }


def _leaky(v):
    return jax.nn.leaky_relu(v, negative_slope=0.01)


def reference(x, edge_index, node_types, edge_types, W_in, b_in, W_rel,
              W_hid, b_hid, W_out, b_out, W_log, b_log):
    src = edge_index[0]
    dst = edge_index[1]
    # per-source-node-type input transform (source-type segregation)
    Wn = W_in[node_types]                      # [N, D, H] gather on type table
    h = jnp.einsum('nd,ndh->nh', x, Wn) + b_in # [N, H]
    h = _leaky(h)
    # relational message passing: gather source features, scatter-add to dst,
    # one relation-specific transform per edge type
    msg = h[src]                               # [E, H] gather
    agg = jnp.zeros((N, H), dtype=x.dtype)
    for r in range(ET):
        mask = (edge_types == r).astype(x.dtype)[:, None]
        agg_r = jax.ops.segment_sum(msg * mask, dst, num_segments=N)
        agg = agg + agg_r @ W_rel[r]
    h1 = _leaky(agg)
    # hidden conv layer (num_hidden_conv_layers = 1)
    msg2 = h1[src]                             # [E, H] gather
    agg2 = jax.ops.segment_sum(msg2, dst, num_segments=N)  # scatter-add
    h2 = _leaky(agg2 @ W_hid + b_hid)
    # node -> out_embed projection and graph readout
    hn = h2 @ W_out + b_out                    # [N, OUT]
    g = jnp.mean(hn, axis=0)                   # [OUT]
    embed = _leaky(g)                          # graph embedding (_out_h row)
    out = jax.nn.sigmoid(embed @ W_log + b_log).reshape(1, 1)  # _out
    return out, embed

if __name__ == "__main__":
    import jax
    _d = setup_inputs()
    print(jax.jit(kernel)(*tuple(_d.values())))

</pallas_src>

<mosaic_0001>
#map = affine_map<(d0, d1) -> (0, 0)>
module attributes {stable_mosaic.version = 14 : i64} {
  func.func @mp(%arg0: i32, %arg1: i32, %arg2: memref<20224x16xf32, #tpu.memory_space<hbm>>, %arg3: memref<2560x128xi32, #tpu.memory_space<hbm>>, %arg4: memref<2560x128xi32, #tpu.memory_space<hbm>>, %arg5: memref<10112x16xf32, #tpu.memory_space<hbm>>, %arg6: memref<20224x16xf32, #tpu.memory_space<hbm>>, %arg7: memref<80x128xi32, #tpu.memory_space<vmem>>, %arg8: memref<80x128xi32, #tpu.memory_space<vmem>>, %arg9: memref<128x16xf32, #tpu.memory_space<vmem>>, %arg10: memref<128x16xf32, #tpu.memory_space<vmem>>, %arg11: memref<128x16xf32, #tpu.memory_space<vmem>>, %arg12: memref<128x16xf32, #tpu.memory_space<vmem>>, %arg13: memref<128x16xf32, #tpu.memory_space<vmem>>, %arg14: memref<128x16xf32, #tpu.memory_space<vmem>>, %arg15: memref<128x16xf32, #tpu.memory_space<vmem>>, %arg16: memref<128x16xf32, #tpu.memory_space<vmem>>, %arg17: memref<632x16xf32, #tpu.memory_space<vmem>>, %arg18: memref<632x16xf32, #tpu.memory_space<vmem>>, %arg19: memref<10112x16xf32, #tpu.memory_space<vmem_shared>>, %arg20: memref<10112x16xf32, #tpu.memory_space<vmem_shared>>, %arg21: memref<!tpu.dma_semaphore, #tpu.memory_space<semaphore_mem>>, %arg22: memref<!tpu.dma_semaphore, #tpu.memory_space<semaphore_mem>>, %arg23: memref<!tpu.dma_semaphore, #tpu.memory_space<semaphore_mem>>, %arg24: memref<!tpu.dma_semaphore, #tpu.memory_space<semaphore_mem>>, %arg25: memref<!tpu.dma_semaphore, #tpu.memory_space<semaphore_mem>>, %arg26: memref<!tpu.dma_semaphore, #tpu.memory_space<semaphore_mem>>, %arg27: memref<!tpu.dma_semaphore, #tpu.memory_space<semaphore_mem>>, %arg28: memref<!tpu.dma_semaphore, #tpu.memory_space<semaphore_mem>>, %arg29: memref<!tpu.dma_semaphore, #tpu.memory_space<semaphore_mem>>, %arg30: memref<!tpu.dma_semaphore, #tpu.memory_space<semaphore_mem>>, %arg31: memref<!tpu.dma_semaphore, #tpu.memory_space<semaphore_mem>>, %arg32: memref<!tpu.dma_semaphore, #tpu.memory_space<semaphore_mem>>, %arg33: memref<!tpu.dma_semaphore, #tpu.memory_space<semaphore_mem>>, %arg34: memref<!tpu.dma_semaphore, #tpu.memory_space<semaphore_mem>>, %arg35: memref<!tpu.dma_semaphore, #tpu.memory_space<semaphore_mem>>, %arg36: memref<!tpu.dma_semaphore, #tpu.memory_space<semaphore_mem>>, %arg37: memref<!tpu.dma_semaphore, #tpu.memory_space<semaphore_mem>>, %arg38: memref<!tpu.dma_semaphore, #tpu.memory_space<semaphore_mem>>, %arg39: memref<!tpu.dma_semaphore, #tpu.memory_space<semaphore_mem>>, %arg40: memref<!tpu.dma_semaphore, #tpu.memory_space<semaphore_mem>>, %arg41: memref<!tpu.dma_semaphore, #tpu.memory_space<semaphore_mem>>) attributes {dimension_semantics = [#tpu.dimension_semantics<core_parallel>, #tpu.dimension_semantics<subcore_parallel>], iteration_bounds = array<i64: 2, 16>, scalar_prefetch = 0 : i64, scratch_operands = 35 : i64, tpu.core_type = #tpu.core_type<sc_vector_subcore>, window_params = [{transform_indices = #map}, {transform_indices = #map}, {transform_indices = #map}, {transform_indices = #map}, {transform_indices = #map}]} {
    %mul3A = arith.constant 16 : i32
    %mul3A_0 = arith.muli %arg0, %mul3A : i32
    %add3A = arith.addi %mul3A_0, %arg1 : i32
    %mul3A_1 = arith.constant 632 : i32
    %mul3A_2 = arith.muli %arg1, %mul3A_1 : i32
    %dma_start3A = arith.constant 0 : i32
    %dma_start3A_3 = tpu.memref_slice %arg2[%mul3A_2, %dma_start3A] : memref<20224x16xf32, #tpu.memory_space<hbm>> -> memref<632x16xf32, #tpu.memory_space<hbm>>
    %dma_start3A_4 = arith.constant 0 : i32
    %dma_start3A_5 = tpu.memref_slice %arg2[%mul3A_2, %dma_start3A_4] : memref<20224x16xf32, #tpu.memory_space<hbm>> -> memref<632x16xf32, #tpu.memory_space<hbm>>
    tpu.enqueue_dma source(%dma_start3A_5 : memref<632x16xf32, #tpu.memory_space<hbm>>) target(%arg17 : memref<632x16xf32, #tpu.memory_space<vmem>>) target_semaphore(%arg37 : memref<!tpu.dma_semaphore, #tpu.memory_space<semaphore_mem>>)
    %mul3A_6 = arith.constant 632 : i32
    %mul3A_7 = arith.muli %arg1, %mul3A_6 : i32
    %add3A_8 = arith.constant 10112 : i32
    %add3A_9 = arith.addi %add3A_8, %mul3A_7 : i32
    %dma_start3A_10 = arith.constant 0 : i32
    %dma_start3A_11 = tpu.memref_slice %arg2[%add3A_9, %dma_start3A_10] : memref<20224x16xf32, #tpu.memory_space<hbm>> -> memref<632x16xf32, #tpu.memory_space<hbm>>
    %dma_start3A_12 = arith.constant 0 : i32
    %dma_start3A_13 = tpu.memref_slice %arg2[%add3A_9, %dma_start3A_12] : memref<20224x16xf32, #tpu.memory_space<hbm>> -> memref<632x16xf32, #tpu.memory_space<hbm>>
    tpu.enqueue_dma source(%dma_start3A_13 : memref<632x16xf32, #tpu.memory_space<hbm>>) target(%arg18 : memref<632x16xf32, #tpu.memory_space<vmem>>) target_semaphore(%arg38 : memref<!tpu.dma_semaphore, #tpu.memory_space<semaphore_mem>>)
    %mul3A_14 = arith.constant 632 : i32
    %mul3A_15 = arith.muli %arg1, %mul3A_14 : i32
    %mul3A_16 = arith.constant 632 : i32
    %mul3A_17 = arith.muli %arg1, %mul3A_16 : i32
    %dma_start3A_18 = arith.constant 0 : i32
    %dma_start3A_19 = tpu.memref_slice %arg19[%mul3A_17, %dma_start3A_18] : memref<10112x16xf32, #tpu.memory_space<vmem_shared>> -> memref<632x16xf32, #tpu.memory_space<vmem_shared>>
    %dma_start3A_20 = arith.constant 0 : i32
    %dma_start3A_21 = tpu.memref_slice %arg5[%mul3A_15, %dma_start3A_20] : memref<10112x16xf32, #tpu.memory_space<hbm>> -> memref<632x16xf32, #tpu.memory_space<hbm>>
    tpu.enqueue_dma source(%dma_start3A_21 : memref<632x16xf32, #tpu.memory_space<hbm>>) target(%dma_start3A_19 : memref<632x16xf32, #tpu.memory_space<vmem_shared>>) target_semaphore(%arg39 : memref<!tpu.dma_semaphore, #tpu.memory_space<semaphore_mem>>)
    %mul3A_22 = arith.constant 80 : i32
    %mul3A_23 = arith.muli %add3A, %mul3A_22 : i32
    %dma_start3A_24 = arith.constant 0 : i32
    %dma_start3A_25 = tpu.memref_slice %arg3[%mul3A_23, %dma_start3A_24] : memref<2560x128xi32, #tpu.memory_space<hbm>> -> memref<80x128xi32, #tpu.memory_space<hbm>>
    %dma_start3A_26 = arith.constant 0 : i32
    %dma_start3A_27 = tpu.memref_slice %arg3[%mul3A_23, %dma_start3A_26] : memref<2560x128xi32, #tpu.memory_space<hbm>> -> memref<80x128xi32, #tpu.memory_space<hbm>>
    tpu.enqueue_dma source(%dma_start3A_27 : memref<80x128xi32, #tpu.memory_space<hbm>>) target(%arg7 : memref<80x128xi32, #tpu.memory_space<vmem>>) target_semaphore(%arg40 : memref<!tpu.dma_semaphore, #tpu.memory_space<semaphore_mem>>)
    %mul3A_28 = arith.constant 80 : i32
    %mul3A_29 = arith.muli %add3A, %mul3A_28 : i32
    %dma_start3A_30 = arith.constant 0 : i32
    %dma_start3A_31 = tpu.memref_slice %arg4[%mul3A_29, %dma_start3A_30] : memref<2560x128xi32, #tpu.memory_space<hbm>> -> memref<80x128xi32, #tpu.memory_space<hbm>>
    %dma_start3A_32 = arith.constant 0 : i32
    %dma_start3A_33 = tpu.memref_slice %arg4[%mul3A_29, %dma_start3A_32] : memref<2560x128xi32, #tpu.memory_space<hbm>> -> memref<80x128xi32, #tpu.memory_space<hbm>>
    tpu.enqueue_dma source(%dma_start3A_33 : memref<80x128xi32, #tpu.memory_space<hbm>>) target(%arg8 : memref<80x128xi32, #tpu.memory_space<vmem>>) target_semaphore(%arg41 : memref<!tpu.dma_semaphore, #tpu.memory_space<semaphore_mem>>)
    %mul3A_34 = arith.constant 632 : i32
    %mul3A_35 = arith.muli %arg1, %mul3A_34 : i32
    %dma_wait3A = arith.constant 0 : i32
    %dma_wait3A_36 = tpu.memref_slice %arg2[%mul3A_35, %dma_wait3A] : memref<20224x16xf32, #tpu.memory_space<hbm>> -> memref<632x16xf32, #tpu.memory_space<hbm>>
    %dma_wait3A_37 = arith.constant 0 : i32
    %dma_wait3A_38 = tpu.memref_slice %arg2[%mul3A_35, %dma_wait3A_37] : memref<20224x16xf32, #tpu.memory_space<hbm>> -> memref<632x16xf32, #tpu.memory_space<hbm>>
    tpu.wait_dma2 semaphore(%arg37 : memref<!tpu.dma_semaphore, #tpu.memory_space<semaphore_mem>>) src(%dma_wait3A_38 : memref<632x16xf32, #tpu.memory_space<hbm>>) dst(%arg17 : memref<632x16xf32, #tpu.memory_space<vmem>>)
    %mul3A_39 = arith.constant 632 : i32
    %mul3A_40 = arith.muli %arg1, %mul3A_39 : i32
    %add3A_41 = arith.constant 10112 : i32
    %add3A_42 = arith.addi %add3A_41, %mul3A_40 : i32
    %dma_wait3A_43 = arith.constant 0 : i32
    %dma_wait3A_44 = tpu.memref_slice %arg2[%add3A_42, %dma_wait3A_43] : memref<20224x16xf32, #tpu.memory_space<hbm>> -> memref<632x16xf32, #tpu.memory_space<hbm>>
    %dma_wait3A_45 = arith.constant 0 : i32
    %dma_wait3A_46 = tpu.memref_slice %arg2[%add3A_42, %dma_wait3A_45] : memref<20224x16xf32, #tpu.memory_space<hbm>> -> memref<632x16xf32, #tpu.memory_space<hbm>>
    tpu.wait_dma2 semaphore(%arg38 : memref<!tpu.dma_semaphore, #tpu.memory_space<semaphore_mem>>) src(%dma_wait3A_46 : memref<632x16xf32, #tpu.memory_space<hbm>>) dst(%arg18 : memref<632x16xf32, #tpu.memory_space<vmem>>)
    %scan3A = arith.constant 0 : i32
    %scan3A_47 = arith.constant 0 : i32
    %scan3A_48 = arith.constant 632 : i32
    %scan3A_49 = arith.addi %scan3A_47, %scan3A_48 : i32
    %scan3A_50 = arith.constant 1 : i32
    scf.for %scan3A_144 = %scan3A_47 to %scan3A_49 step %scan3A_50  : i32 {
      %get3A = arith.index_cast %scan3A_144 : i32 to index
      %get3A_145 = arith.constant 0 : index
      %get3A_146 = tpu.vector_load %arg17[%get3A, %get3A_145] {strides = array<i32>} : memref<632x16xf32, #tpu.memory_space<vmem>>, vector<1x16xf32>,
      %get3A_147 = vector.shape_cast %get3A_146 : vector<1x16xf32> to vector<16xf32>
      %get3A_148 = arith.index_cast %scan3A_144 : i32 to index
      %get3A_149 = arith.constant 0 : index
      %get3A_150 = tpu.vector_load %arg18[%get3A_148, %get3A_149] {strides = array<i32>} : memref<632x16xf32, #tpu.memory_space<vmem>>, vector<1x16xf32>,
      %get3A_151 = vector.shape_cast %get3A_150 : vector<1x16xf32> to vector<16xf32>
      %add3A_152 = arith.addf %get3A_147, %get3A_151 : vector<16xf32>
      %ge3A = arith.constant 0.000000e+00 : f32
      %ge3A_153 = vector.broadcast %ge3A : f32 to vector<16xf32>
      %ge3A_154 = arith.cmpf oge, %add3A_152, %ge3A_153 : vector<16xf32>
      %mul3A_155 = arith.constant 0.00999999977 : f32
      %mul3A_156 = vector.broadcast %mul3A_155 : f32 to vector<16xf32>
      %mul3A_157 = arith.mulf %mul3A_156, %add3A_152 : vector<16xf32>
      %select_n3A = arith.select %ge3A_154, %add3A_152, %mul3A_157 : vector<16xi1>, vector<16xf32>
      %swap3A = arith.index_cast %scan3A_144 : i32 to index
      %swap3A_158 = arith.constant 0 : index
      %swap3A_159 = tpu.vector_load %arg17[%swap3A, %swap3A_158] {strides = array<i32>} : memref<632x16xf32, #tpu.memory_space<vmem>>, vector<1x16xf32>,
      %swap3A_160 = vector.shape_cast %swap3A_159 : vector<1x16xf32> to vector<16xf32>
      %swap3A_161 = vector.shape_cast %select_n3A : vector<16xf32> to vector<1x16xf32>
      tpu.vector_store %arg17[%swap3A, %swap3A_158], %swap3A_161 {strides = array<i32>} : memref<632x16xf32, #tpu.memory_space<vmem>>, vector<1x16xf32>,
    }
    %scan3A_51 = arith.constant 632 : i32
    %mul3A_52 = arith.constant 632 : i32
    %mul3A_53 = arith.muli %arg1, %mul3A_52 : i32
    "tpu.region"() ({
      %run_scoped3A = tpu.sem_alloc : memref<!tpu.dma_semaphore, #tpu.memory_space<semaphore_mem>>
      %dma_start3A_144 = arith.constant 0 : i32
      %dma_start3A_145 = tpu.memref_slice %arg20[%mul3A_53, %dma_start3A_144] : memref<10112x16xf32, #tpu.memory_space<vmem_shared>> -> memref<632x16xf32, #tpu.memory_space<vmem_shared>>
      %dma_start3A_146 = arith.constant 0 : i32
      %dma_start3A_147 = tpu.memref_slice %arg20[%mul3A_53, %dma_start3A_146] : memref<10112x16xf32, #tpu.memory_space<vmem_shared>> -> memref<632x16xf32, #tpu.memory_space<vmem_shared>>
      tpu.enqueue_dma source(%arg17 : memref<632x16xf32, #tpu.memory_space<vmem>>) target(%dma_start3A_147 : memref<632x16xf32, #tpu.memory_space<vmem_shared>>) target_semaphore(%run_scoped3A : memref<!tpu.dma_semaphore, #tpu.memory_space<semaphore_mem>>)
      %dma_wait3A_148 = arith.constant 0 : i32
      %dma_wait3A_149 = tpu.memref_slice %arg20[%mul3A_53, %dma_wait3A_148] : memref<10112x16xf32, #tpu.memory_space<vmem_shared>> -> memref<632x16xf32, #tpu.memory_space<vmem_shared>>
      %dma_wait3A_150 = arith.constant 0 : i32
      %dma_wait3A_151 = tpu.memref_slice %arg20[%mul3A_53, %dma_wait3A_150] : memref<10112x16xf32, #tpu.memory_space<vmem_shared>> -> memref<632x16xf32, #tpu.memory_space<vmem_shared>>
      tpu.wait_dma2 semaphore(%run_scoped3A : memref<!tpu.dma_semaphore, #tpu.memory_space<semaphore_mem>>) src(%arg17 : memref<632x16xf32, #tpu.memory_space<vmem>>) dst(%dma_wait3A_151 : memref<632x16xf32, #tpu.memory_space<vmem_shared>>)
      tpu.yield
    }) : () -> ()
    %mul3A_54 = arith.constant 632 : i32
    %mul3A_55 = arith.muli %arg1, %mul3A_54 : i32
    %mul3A_56 = arith.constant 632 : i32
    %mul3A_57 = arith.muli %arg1, %mul3A_56 : i32
    %dma_wait3A_58 = arith.constant 0 : i32
    %dma_wait3A_59 = tpu.memref_slice %arg19[%mul3A_57, %dma_wait3A_58] : memref<10112x16xf32, #tpu.memory_space<vmem_shared>> -> memref<632x16xf32, #tpu.memory_space<vmem_shared>>
    %dma_wait3A_60 = arith.constant 0 : i32
    %dma_wait3A_61 = tpu.memref_slice %arg5[%mul3A_55, %dma_wait3A_60] : memref<10112x16xf32, #tpu.memory_space<hbm>> -> memref<632x16xf32, #tpu.memory_space<hbm>>
    tpu.wait_dma2 semaphore(%arg39 : memref<!tpu.dma_semaphore, #tpu.memory_space<semaphore_mem>>) src(%dma_wait3A_61 : memref<632x16xf32, #tpu.memory_space<hbm>>) dst(%dma_wait3A_59 : memref<632x16xf32, #tpu.memory_space<vmem_shared>>)
    %mul3A_62 = arith.constant 80 : i32
    %mul3A_63 = arith.muli %add3A, %mul3A_62 : i32
    %dma_wait3A_64 = arith.constant 0 : i32
    %dma_wait3A_65 = tpu.memref_slice %arg3[%mul3A_63, %dma_wait3A_64] : memref<2560x128xi32, #tpu.memory_space<hbm>> -> memref<80x128xi32, #tpu.memory_space<hbm>>
    %dma_wait3A_66 = arith.constant 0 : i32
    %dma_wait3A_67 = tpu.memref_slice %arg3[%mul3A_63, %dma_wait3A_66] : memref<2560x128xi32, #tpu.memory_space<hbm>> -> memref<80x128xi32, #tpu.memory_space<hbm>>
    tpu.wait_dma2 semaphore(%arg40 : memref<!tpu.dma_semaphore, #tpu.memory_space<semaphore_mem>>) src(%dma_wait3A_67 : memref<80x128xi32, #tpu.memory_space<hbm>>) dst(%arg7 : memref<80x128xi32, #tpu.memory_space<vmem>>)
    %mul3A_68 = arith.constant 80 : i32
    %mul3A_69 = arith.muli %add3A, %mul3A_68 : i32
    %dma_wait3A_70 = arith.constant 0 : i32
    %dma_wait3A_71 = tpu.memref_slice %arg4[%mul3A_69, %dma_wait3A_70] : memref<2560x128xi32, #tpu.memory_space<hbm>> -> memref<80x128xi32, #tpu.memory_space<hbm>>
    %dma_wait3A_72 = arith.constant 0 : i32
    %dma_wait3A_73 = tpu.memref_slice %arg4[%mul3A_69, %dma_wait3A_72] : memref<2560x128xi32, #tpu.memory_space<hbm>> -> memref<80x128xi32, #tpu.memory_space<hbm>>
    tpu.wait_dma2 semaphore(%arg41 : memref<!tpu.dma_semaphore, #tpu.memory_space<semaphore_mem>>) src(%dma_wait3A_73 : memref<80x128xi32, #tpu.memory_space<hbm>>) dst(%arg8 : memref<80x128xi32, #tpu.memory_space<vmem>>)
    %barrier3A = arith.constant 0 : index
    tpu.barrier barrier_id(%barrier3A)
    %dma_start3A_74 = arith.constant 0 : i32
    %dma_start3A_75 = arith.constant 0 : i32
    %dma_start3A_76 = tpu.memref_slice %arg7[%dma_start3A_74, %dma_start3A_75] : memref<80x128xi32, #tpu.memory_space<vmem>> -> memref<1x128xi32, #tpu.memory_space<vmem>>
    %dma_start3A_77 = tpu.memref_squeeze %dma_start3A_76 : memref<1x128xi32, #tpu.memory_space<vmem>> -> memref<128xi32, #tpu.memory_space<vmem>>
    %dma_start3A_78 = arith.constant 0 : i32
    %dma_start3A_79 = arith.constant 0 : i32
    %dma_start3A_80 = tpu.memref_slice %arg20[%dma_start3A_78, %dma_start3A_79] : memref<10112x16xf32, #tpu.memory_space<vmem_shared>> -> memref<10112x16xf32, #tpu.memory_space<vmem_shared>>
    tpu.enqueue_indirect_dma source(%dma_start3A_80 : memref<10112x16xf32, #tpu.memory_space<vmem_shared>>) target(%arg9 : memref<128x16xf32, #tpu.memory_space<vmem>>) offsets(%dma_start3A_77 : memref<128xi32, #tpu.memory_space<vmem>>) semaphore(%arg21 : memref<!tpu.dma_semaphore, #tpu.memory_space<semaphore_mem>>)
    %dma_start3A_81 = arith.constant 1 : i32
    %dma_start3A_82 = arith.constant 0 : i32
    %dma_start3A_83 = tpu.memref_slice %arg7[%dma_start3A_81, %dma_start3A_82] : memref<80x128xi32, #tpu.memory_space<vmem>> -> memref<1x128xi32, #tpu.memory_space<vmem>>
    %dma_start3A_84 = tpu.memref_squeeze %dma_start3A_83 : memref<1x128xi32, #tpu.memory_space<vmem>> -> memref<128xi32, #tpu.memory_space<vmem>>
    %dma_start3A_85 = arith.constant 0 : i32
    %dma_start3A_86 = arith.constant 0 : i32
    %dma_start3A_87 = tpu.memref_slice %arg20[%dma_start3A_85, %dma_start3A_86] : memref<10112x16xf32, #tpu.memory_space<vmem_shared>> -> memref<10112x16xf32, #tpu.memory_space<vmem_shared>>
    tpu.enqueue_indirect_dma source(%dma_start3A_87 : memref<10112x16xf32, #tpu.memory_space<vmem_shared>>) target(%arg10 : memref<128x16xf32, #tpu.memory_space<vmem>>) offsets(%dma_start3A_84 : memref<128xi32, #tpu.memory_space<vmem>>) semaphore(%arg22 : memref<!tpu.dma_semaphore, #tpu.memory_space<semaphore_mem>>)
    %dma_start3A_88 = arith.constant 2 : i32
    %dma_start3A_89 = arith.constant 0 : i32
    %dma_start3A_90 = tpu.memref_slice %arg7[%dma_start3A_88, %dma_start3A_89] : memref<80x128xi32, #tpu.memory_space<vmem>> -> memref<1x128xi32, #tpu.memory_space<vmem>>
    %dma_start3A_91 = tpu.memref_squeeze %dma_start3A_90 : memref<1x128xi32, #tpu.memory_space<vmem>> -> memref<128xi32, #tpu.memory_space<vmem>>
    %dma_start3A_92 = arith.constant 0 : i32
    %dma_start3A_93 = arith.constant 0 : i32
    %dma_start3A_94 = tpu.memref_slice %arg20[%dma_start3A_92, %dma_start3A_93] : memref<10112x16xf32, #tpu.memory_space<vmem_shared>> -> memref<10112x16xf32, #tpu.memory_space<vmem_shared>>
    tpu.enqueue_indirect_dma source(%dma_start3A_94 : memref<10112x16xf32, #tpu.memory_space<vmem_shared>>) target(%arg11 : memref<128x16xf32, #tpu.memory_space<vmem>>) offsets(%dma_start3A_91 : memref<128xi32, #tpu.memory_space<vmem>>) semaphore(%arg23 : memref<!tpu.dma_semaphore, #tpu.memory_space<semaphore_mem>>)
    %dma_start3A_95 = arith.constant 3 : i32
    %dma_start3A_96 = arith.constant 0 : i32
    %dma_start3A_97 = tpu.memref_slice %arg7[%dma_start3A_95, %dma_start3A_96] : memref<80x128xi32, #tpu.memory_space<vmem>> -> memref<1x128xi32, #tpu.memory_space<vmem>>
    %dma_start3A_98 = tpu.memref_squeeze %dma_start3A_97 : memref<1x128xi32, #tpu.memory_space<vmem>> -> memref<128xi32, #tpu.memory_space<vmem>>
    %dma_start3A_99 = arith.constant 0 : i32
    %dma_start3A_100 = arith.constant 0 : i32
    %dma_start3A_101 = tpu.memref_slice %arg20[%dma_start3A_99, %dma_start3A_100] : memref<10112x16xf32, #tpu.memory_space<vmem_shared>> -> memref<10112x16xf32, #tpu.memory_space<vmem_shared>>
    tpu.enqueue_indirect_dma source(%dma_start3A_101 : memref<10112x16xf32, #tpu.memory_space<vmem_shared>>) target(%arg12 : memref<128x16xf32, #tpu.memory_space<vmem>>) offsets(%dma_start3A_98 : memref<128xi32, #tpu.memory_space<vmem>>) semaphore(%arg24 : memref<!tpu.dma_semaphore, #tpu.memory_space<semaphore_mem>>)
    %scan3A_102 = arith.constant 0 : i32
    %scan3A_103 = arith.constant 0 : i32
    %scan3A_104 = arith.constant 10 : i32
    %scan3A_105 = arith.addi %scan3A_103, %scan3A_104 : i32
    %scan3A_106 = arith.constant 1 : i32
    scf.for %scan3A_144 = %scan3A_103 to %scan3A_105 step %scan3A_106  : i32 {
      %mul3A_145 = arith.constant 8 : i32
      %mul3A_146 = arith.muli %mul3A_145, %scan3A_144 : i32
      %add3A_147 = arith.constant 0 : i32
      %add3A_148 = arith.addi %mul3A_146, %add3A_147 : i32
      %dma_wait3A_149 = arith.constant 0 : i32
      %dma_wait3A_150 = tpu.memref_slice %arg7[%add3A_148, %dma_wait3A_149] : memref<80x128xi32, #tpu.memory_space<vmem>> -> memref<1x128xi32, #tpu.memory_space<vmem>>
      %dma_wait3A_151 = tpu.memref_squeeze %dma_wait3A_150 : memref<1x128xi32, #tpu.memory_space<vmem>> -> memref<128xi32, #tpu.memory_space<vmem>>
      %dma_wait3A_152 = arith.constant 0 : i32
      %dma_wait3A_153 = arith.constant 0 : i32
      %dma_wait3A_154 = tpu.memref_slice %arg20[%dma_wait3A_152, %dma_wait3A_153] : memref<10112x16xf32, #tpu.memory_space<vmem_shared>> -> memref<10112x16xf32, #tpu.memory_space<vmem_shared>>
      tpu.wait_indirect_dma semaphore(%arg21 : memref<!tpu.dma_semaphore, #tpu.memory_space<semaphore_mem>>) src(%dma_wait3A_154 : memref<10112x16xf32, #tpu.memory_space<vmem_shared>>) dst(%arg9 : memref<128x16xf32, #tpu.memory_space<vmem>>)
      %dma_start3A_155 = arith.constant 0 : i32
      %dma_start3A_156 = tpu.memref_slice %arg8[%add3A_148, %dma_start3A_155] : memref<80x128xi32, #tpu.memory_space<vmem>> -> memref<1x128xi32, #tpu.memory_space<vmem>>
      %dma_start3A_157 = tpu.memref_squeeze %dma_start3A_156 : memref<1x128xi32, #tpu.memory_space<vmem>> -> memref<128xi32, #tpu.memory_space<vmem>>
      %dma_start3A_158 = arith.constant 0 : i32
      %dma_start3A_159 = arith.constant 0 : i32
      %dma_start3A_160 = tpu.memref_slice %arg19[%dma_start3A_158, %dma_start3A_159] : memref<10112x16xf32, #tpu.memory_space<vmem_shared>> -> memref<10112x16xf32, #tpu.memory_space<vmem_shared>>
      tpu.enqueue_indirect_dma source(%arg9 : memref<128x16xf32, #tpu.memory_space<vmem>>) target(%dma_start3A_160 : memref<10112x16xf32, #tpu.memory_space<vmem_shared>>) offsets(%dma_start3A_157 : memref<128xi32, #tpu.memory_space<vmem>>) semaphore(%arg29 : memref<!tpu.dma_semaphore, #tpu.memory_space<semaphore_mem>>) {add = true}
      %sub3A = arith.constant 4 : i32
      %sub3A_161 = arith.subi %add3A_148, %sub3A : i32
      %ge3A = arith.constant 0 : i32
      %ge3A_162 = arith.cmpi sge, %sub3A_161, %ge3A : i32
      %convert_element_type3A = arith.extui %ge3A_162 : i1 to i32
      %cond3A = arith.constant 0 : i32
      %cond3A_163 = arith.cmpi ne, %convert_element_type3A, %cond3A : i32
      scf.if %cond3A_163 {
        %sub3A_366 = arith.constant 4 : i32
        %sub3A_367 = arith.subi %add3A_148, %sub3A_366 : i32
        %dma_wait3A_368 = arith.constant 0 : i32
        %dma_wait3A_369 = tpu.memref_slice %arg8[%sub3A_367, %dma_wait3A_368] : memref<80x128xi32, #tpu.memory_space<vmem>> -> memref<1x128xi32, #tpu.memory_space<vmem>>
        %dma_wait3A_370 = tpu.memref_squeeze %dma_wait3A_369 : memref<1x128xi32, #tpu.memory_space<vmem>> -> memref<128xi32, #tpu.memory_space<vmem>>
        %dma_wait3A_371 = arith.constant 0 : i32
        %dma_wait3A_372 = arith.constant 0 : i32
        %dma_wait3A_373 = tpu.memref_slice %arg19[%dma_wait3A_371, %dma_wait3A_372] : memref<10112x16xf32, #tpu.memory_space<vmem_shared>> -> memref<10112x16xf32, #tpu.memory_space<vmem_shared>>
        tpu.wait_indirect_dma semaphore(%arg33 : memref<!tpu.dma_semaphore, #tpu.memory_space<semaphore_mem>>) src(%arg13 : memref<128x16xf32, #tpu.memory_space<vmem>>) dst(%dma_wait3A_373 : memref<10112x16xf32, #tpu.memory_space<vmem_shared>>)
      } else {
      }
      %add3A_164 = arith.constant 4 : i32
      %add3A_165 = arith.addi %add3A_148, %add3A_164 : i32
      %lt3A = arith.constant 80 : i32
      %lt3A_166 = arith.cmpi slt, %add3A_165, %lt3A : i32
      %convert_element_type3A_167 = arith.extui %lt3A_166 : i1 to i32
      %cond3A_168 = arith.constant 0 : i32
      %cond3A_169 = arith.cmpi ne, %convert_element_type3A_167, %cond3A_168 : i32
      scf.if %cond3A_169 {
        %add3A_366 = arith.constant 4 : i32
        %add3A_367 = arith.addi %add3A_148, %add3A_366 : i32
        %dma_start3A_368 = arith.constant 0 : i32
        %dma_start3A_369 = tpu.memref_slice %arg7[%add3A_367, %dma_start3A_368] : memref<80x128xi32, #tpu.memory_space<vmem>> -> memref<1x128xi32, #tpu.memory_space<vmem>>
        %dma_start3A_370 = tpu.memref_squeeze %dma_start3A_369 : memref<1x128xi32, #tpu.memory_space<vmem>> -> memref<128xi32, #tpu.memory_space<vmem>>
        %dma_start3A_371 = arith.constant 0 : i32
        %dma_start3A_372 = arith.constant 0 : i32
        %dma_start3A_373 = tpu.memref_slice %arg20[%dma_start3A_371, %dma_start3A_372] : memref<10112x16xf32, #tpu.memory_space<vmem_shared>> -> memref<10112x16xf32, #tpu.memory_space<vmem_shared>>
        tpu.enqueue_indirect_dma source(%dma_start3A_373 : memref<10112x16xf32, #tpu.memory_space<vmem_shared>>) target(%arg13 : memref<128x16xf32, #tpu.memory_space<vmem>>) offsets(%dma_start3A_370 : memref<128xi32, #tpu.memory_space<vmem>>) semaphore(%arg25 : memref<!tpu.dma_semaphore, #tpu.memory_space<semaphore_mem>>)
      } else {
      }
      %add3A_170 = arith.constant 1 : i32
      %add3A_171 = arith.addi %mul3A_146, %add3A_170 : i32
      %dma_wait3A_172 = arith.constant 0 : i32
      %dma_wait3A_173 = tpu.memref_slice %arg7[%add3A_171, %dma_wait3A_172] : memref<80x128xi32, #tpu.memory_space<vmem>> -> memref<1x128xi32, #tpu.memory_space<vmem>>
      %dma_wait3A_174 = tpu.memref_squeeze %dma_wait3A_173 : memref<1x128xi32, #tpu.memory_space<vmem>> -> memref<128xi32, #tpu.memory_space<vmem>>
      %dma_wait3A_175 = arith.constant 0 : i32
      %dma_wait3A_176 = arith.constant 0 : i32
      %dma_wait3A_177 = tpu.memref_slice %arg20[%dma_wait3A_175, %dma_wait3A_176] : memref<10112x16xf32, #tpu.memory_space<vmem_shared>> -> memref<10112x16xf32, #tpu.memory_space<vmem_shared>>
      tpu.wait_indirect_dma semaphore(%arg22 : memref<!tpu.dma_semaphore, #tpu.memory_space<semaphore_mem>>) src(%dma_wait3A_177 : memref<10112x16xf32, #tpu.memory_space<vmem_shared>>) dst(%arg10 : memref<128x16xf32, #tpu.memory_space<vmem>>)
      %dma_start3A_178 = arith.constant 0 : i32
      %dma_start3A_179 = tpu.memref_slice %arg8[%add3A_171, %dma_start3A_178] : memref<80x128xi32, #tpu.memory_space<vmem>> -> memref<1x128xi32, #tpu.memory_space<vmem>>
      %dma_start3A_180 = tpu.memref_squeeze %dma_start3A_179 : memref<1x128xi32, #tpu.memory_space<vmem>> -> memref<128xi32, #tpu.memory_space<vmem>>
      %dma_start3A_181 = arith.constant 0 : i32
      %dma_start3A_182 = arith.constant 0 : i32
      %dma_start3A_183 = tpu.memref_slice %arg19[%dma_start3A_181, %dma_start3A_182] : memref<10112x16xf32, #tpu.memory_space<vmem_shared>> -> memref<10112x16xf32, #tpu.memory_space<vmem_shared>>
      tpu.enqueue_indirect_dma source(%arg10 : memref<128x16xf32, #tpu.memory_space<vmem>>) target(%dma_start3A_183 : memref<10112x16xf32, #tpu.memory_space<vmem_shared>>) offsets(%dma_start3A_180 : memref<128xi32, #tpu.memory_space<vmem>>) semaphore(%arg30 : memref<!tpu.dma_semaphore, #tpu.memory_space<semaphore_mem>>) {add = true}
      %sub3A_184 = arith.constant 4 : i32
      %sub3A_185 = arith.subi %add3A_171, %sub3A_184 : i32
      %ge3A_186 = arith.constant 0 : i32
      %ge3A_187 = arith.cmpi sge, %sub3A_185, %ge3A_186 : i32
      %convert_element_type3A_188 = arith.extui %ge3A_187 : i1 to i32
      %cond3A_189 = arith.constant 0 : i32
      %cond3A_190 = arith.cmpi ne, %convert_element_type3A_188, %cond3A_189 : i32
      scf.if %cond3A_190 {
        %sub3A_366 = arith.constant 4 : i32
        %sub3A_367 = arith.subi %add3A_171, %sub3A_366 : i32
        %dma_wait3A_368 = arith.constant 0 : i32
        %dma_wait3A_369 = tpu.memref_slice %arg8[%sub3A_367, %dma_wait3A_368] : memref<80x128xi32, #tpu.memory_space<vmem>> -> memref<1x128xi32, #tpu.memory_space<vmem>>
        %dma_wait3A_370 = tpu.memref_squeeze %dma_wait3A_369 : memref<1x128xi32, #tpu.memory_space<vmem>> -> memref<128xi32, #tpu.memory_space<vmem>>
        %dma_wait3A_371 = arith.constant 0 : i32
        %dma_wait3A_372 = arith.constant 0 : i32
        %dma_wait3A_373 = tpu.memref_slice %arg19[%dma_wait3A_371, %dma_wait3A_372] : memref<10112x16xf32, #tpu.memory_space<vmem_shared>> -> memref<10112x16xf32, #tpu.memory_space<vmem_shared>>
        tpu.wait_indirect_dma semaphore(%arg34 : memref<!tpu.dma_semaphore, #tpu.memory_space<semaphore_mem>>) src(%arg14 : memref<128x16xf32, #tpu.memory_space<vmem>>) dst(%dma_wait3A_373 : memref<10112x16xf32, #tpu.memory_space<vmem_shared>>)
      } else {
      }
      %add3A_191 = arith.constant 4 : i32
      %add3A_192 = arith.addi %add3A_171, %add3A_191 : i32
      %lt3A_193 = arith.constant 80 : i32
      %lt3A_194 = arith.cmpi slt, %add3A_192, %lt3A_193 : i32
      %convert_element_type3A_195 = arith.extui %lt3A_194 : i1 to i32
      %cond3A_196 = arith.constant 0 : i32
      %cond3A_197 = arith.cmpi ne, %convert_element_type3A_195, %cond3A_196 : i32
      scf.if %cond3A_197 {
        %add3A_366 = arith.constant 4 : i32
        %add3A_367 = arith.addi %add3A_171, %add3A_366 : i32
        %dma_start3A_368 = arith.constant 0 : i32
        %dma_start3A_369 = tpu.memref_slice %arg7[%add3A_367, %dma_start3A_368] : memref<80x128xi32, #tpu.memory_space<vmem>> -> memref<1x128xi32, #tpu.memory_space<vmem>>
        %dma_start3A_370 = tpu.memref_squeeze %dma_start3A_369 : memref<1x128xi32, #tpu.memory_space<vmem>> -> memref<128xi32, #tpu.memory_space<vmem>>
        %dma_start3A_371 = arith.constant 0 : i32
        %dma_start3A_372 = arith.constant 0 : i32
        %dma_start3A_373 = tpu.memref_slice %arg20[%dma_start3A_371, %dma_start3A_372] : memref<10112x16xf32, #tpu.memory_space<vmem_shared>> -> memref<10112x16xf32, #tpu.memory_space<vmem_shared>>
        tpu.enqueue_indirect_dma source(%dma_start3A_373 : memref<10112x16xf32, #tpu.memory_space<vmem_shared>>) target(%arg14 : memref<128x16xf32, #tpu.memory_space<vmem>>) offsets(%dma_start3A_370 : memref<128xi32, #tpu.memory_space<vmem>>) semaphore(%arg26 : memref<!tpu.dma_semaphore, #tpu.memory_space<semaphore_mem>>)
      } else {
      }
      %add3A_198 = arith.constant 2 : i32
      %add3A_199 = arith.addi %mul3A_146, %add3A_198 : i32
      %dma_wait3A_200 = arith.constant 0 : i32
      %dma_wait3A_201 = tpu.memref_slice %arg7[%add3A_199, %dma_wait3A_200] : memref<80x128xi32, #tpu.memory_space<vmem>> -> memref<1x128xi32, #tpu.memory_space<vmem>>
      %dma_wait3A_202 = tpu.memref_squeeze %dma_wait3A_201 : memref<1x128xi32, #tpu.memory_space<vmem>> -> memref<128xi32, #tpu.memory_space<vmem>>
      %dma_wait3A_203 = arith.constant 0 : i32
      %dma_wait3A_204 = arith.constant 0 : i32
      %dma_wait3A_205 = tpu.memref_slice %arg20[%dma_wait3A_203, %dma_wait3A_204] : memref<10112x16xf32, #tpu.memory_space<vmem_shared>> -> memref<10112x16xf32, #tpu.memory_space<vmem_shared>>
      tpu.wait_indirect_dma semaphore(%arg23 : memref<!tpu.dma_semaphore, #tpu.memory_space<semaphore_mem>>) src(%dma_wait3A_205 : memref<10112x16xf32, #tpu.memory_space<vmem_shared>>) dst(%arg11 : memref<128x16xf32, #tpu.memory_space<vmem>>)
      %dma_start3A_206 = arith.constant 0 : i32
      %dma_start3A_207 = tpu.memref_slice %arg8[%add3A_199, %dma_start3A_206] : memref<80x128xi32, #tpu.memory_space<vmem>> -> memref<1x128xi32, #tpu.memory_space<vmem>>
      %dma_start3A_208 = tpu.memref_squeeze %dma_start3A_207 : memref<1x128xi32, #tpu.memory_space<vmem>> -> memref<128xi32, #tpu.memory_space<vmem>>
      %dma_start3A_209 = arith.constant 0 : i32
      %dma_start3A_210 = arith.constant 0 : i32
      %dma_start3A_211 = tpu.memref_slice %arg19[%dma_start3A_209, %dma_start3A_210] : memref<10112x16xf32, #tpu.memory_space<vmem_shared>> -> memref<10112x16xf32, #tpu.memory_space<vmem_shared>>
      tpu.enqueue_indirect_dma source(%arg11 : memref<128x16xf32, #tpu.memory_space<vmem>>) target(%dma_start3A_211 : memref<10112x16xf32, #tpu.memory_space<vmem_shared>>) offsets(%dma_start3A_208 : memref<128xi32, #tpu.memory_space<vmem>>) semaphore(%arg31 : memref<!tpu.dma_semaphore, #tpu.memory_space<semaphore_mem>>) {add = true}
      %sub3A_212 = arith.constant 4 : i32
      %sub3A_213 = arith.subi %add3A_199, %sub3A_212 : i32
      %ge3A_214 = arith.constant 0 : i32
      %ge3A_215 = arith.cmpi sge, %sub3A_213, %ge3A_214 : i32
      %convert_element_type3A_216 = arith.extui %ge3A_215 : i1 to i32
      %cond3A_217 = arith.constant 0 : i32
      %cond3A_218 = arith.cmpi ne, %convert_element_type3A_216, %cond3A_217 : i32
      scf.if %cond3A_218 {
        %sub3A_366 = arith.constant 4 : i32
        %sub3A_367 = arith.subi %add3A_199, %sub3A_366 : i32
        %dma_wait3A_368 = arith.constant 0 : i32
        %dma_wait3A_369 = tpu.memref_slice %arg8[%sub3A_367, %dma_wait3A_368] : memref<80x128xi32, #tpu.memory_space<vmem>> -> memref<1x128xi32, #tpu.memory_space<vmem>>
        %dma_wait3A_370 = tpu.memref_squeeze %dma_wait3A_369 : memref<1x128xi32, #tpu.memory_space<vmem>> -> memref<128xi32, #tpu.memory_space<vmem>>
        %dma_wait3A_371 = arith.constant 0 : i32
        %dma_wait3A_372 = arith.constant 0 : i32
        %dma_wait3A_373 = tpu.memref_slice %arg19[%dma_wait3A_371, %dma_wait3A_372] : memref<10112x16xf32, #tpu.memory_space<vmem_shared>> -> memref<10112x16xf32, #tpu.memory_space<vmem_shared>>
        tpu.wait_indirect_dma semaphore(%arg35 : memref<!tpu.dma_semaphore, #tpu.memory_space<semaphore_mem>>) src(%arg15 : memref<128x16xf32, #tpu.memory_space<vmem>>) dst(%dma_wait3A_373 : memref<10112x16xf32, #tpu.memory_space<vmem_shared>>)
      } else {
      }
      %add3A_219 = arith.constant 4 : i32
      %add3A_220 = arith.addi %add3A_199, %add3A_219 : i32
      %lt3A_221 = arith.constant 80 : i32
      %lt3A_222 = arith.cmpi slt, %add3A_220, %lt3A_221 : i32
      %convert_element_type3A_223 = arith.extui %lt3A_222 : i1 to i32
      %cond3A_224 = arith.constant 0 : i32
      %cond3A_225 = arith.cmpi ne, %convert_element_type3A_223, %cond3A_224 : i32
      scf.if %cond3A_225 {
        %add3A_366 = arith.constant 4 : i32
        %add3A_367 = arith.addi %add3A_199, %add3A_366 : i32
        %dma_start3A_368 = arith.constant 0 : i32
        %dma_start3A_369 = tpu.memref_slice %arg7[%add3A_367, %dma_start3A_368] : memref<80x128xi32, #tpu.memory_space<vmem>> -> memref<1x128xi32, #tpu.memory_space<vmem>>
        %dma_start3A_370 = tpu.memref_squeeze %dma_start3A_369 : memref<1x128xi32, #tpu.memory_space<vmem>> -> memref<128xi32, #tpu.memory_space<vmem>>
        %dma_start3A_371 = arith.constant 0 : i32
        %dma_start3A_372 = arith.constant 0 : i32
        %dma_start3A_373 = tpu.memref_slice %arg20[%dma_start3A_371, %dma_start3A_372] : memref<10112x16xf32, #tpu.memory_space<vmem_shared>> -> memref<10112x16xf32, #tpu.memory_space<vmem_shared>>
        tpu.enqueue_indirect_dma source(%dma_start3A_373 : memref<10112x16xf32, #tpu.memory_space<vmem_shared>>) target(%arg15 : memref<128x16xf32, #tpu.memory_space<vmem>>) offsets(%dma_start3A_370 : memref<128xi32, #tpu.memory_space<vmem>>) semaphore(%arg27 : memref<!tpu.dma_semaphore, #tpu.memory_space<semaphore_mem>>)
      } else {
      }
      %add3A_226 = arith.constant 3 : i32
      %add3A_227 = arith.addi %mul3A_146, %add3A_226 : i32
      %dma_wait3A_228 = arith.constant 0 : i32
      %dma_wait3A_229 = tpu.memref_slice %arg7[%add3A_227, %dma_wait3A_228] : memref<80x128xi32, #tpu.memory_space<vmem>> -> memref<1x128xi32, #tpu.memory_space<vmem>>
      %dma_wait3A_230 = tpu.memref_squeeze %dma_wait3A_229 : memref<1x128xi32, #tpu.memory_space<vmem>> -> memref<128xi32, #tpu.memory_space<vmem>>
      %dma_wait3A_231 = arith.constant 0 : i32
      %dma_wait3A_232 = arith.constant 0 : i32
      %dma_wait3A_233 = tpu.memref_slice %arg20[%dma_wait3A_231, %dma_wait3A_232] : memref<10112x16xf32, #tpu.memory_space<vmem_shared>> -> memref<10112x16xf32, #tpu.memory_space<vmem_shared>>
      tpu.wait_indirect_dma semaphore(%arg24 : memref<!tpu.dma_semaphore, #tpu.memory_space<semaphore_mem>>) src(%dma_wait3A_233 : memref<10112x16xf32, #tpu.memory_space<vmem_shared>>) dst(%arg12 : memref<128x16xf32, #tpu.memory_space<vmem>>)
      %dma_start3A_234 = arith.constant 0 : i32
      %dma_start3A_235 = tpu.memref_slice %arg8[%add3A_227, %dma_start3A_234] : memref<80x128xi32, #tpu.memory_space<vmem>> -> memref<1x128xi32, #tpu.memory_space<vmem>>
      %dma_start3A_236 = tpu.memref_squeeze %dma_start3A_235 : memref<1x128xi32, #tpu.memory_space<vmem>> -> memref<128xi32, #tpu.memory_space<vmem>>
      %dma_start3A_237 = arith.constant 0 : i32
      %dma_start3A_238 = arith.constant 0 : i32
      %dma_start3A_239 = tpu.memref_slice %arg19[%dma_start3A_237, %dma_start3A_238] : memref<10112x16xf32, #tpu.memory_space<vmem_shared>> -> memref<10112x16xf32, #tpu.memory_space<vmem_shared>>
      tpu.enqueue_indirect_dma source(%arg12 : memref<128x16xf32, #tpu.memory_space<vmem>>) target(%dma_start3A_239 : memref<10112x16xf32, #tpu.memory_space<vmem_shared>>) offsets(%dma_start3A_236 : memref<128xi32, #tpu.memory_space<vmem>>) semaphore(%arg32 : memref<!tpu.dma_semaphore, #tpu.memory_space<semaphore_mem>>) {add = true}
      %sub3A_240 = arith.constant 4 : i32
      %sub3A_241 = arith.subi %add3A_227, %sub3A_240 : i32
      %ge3A_242 = arith.constant 0 : i32
      %ge3A_243 = arith.cmpi sge, %sub3A_241, %ge3A_242 : i32
      %convert_element_type3A_244 = arith.extui %ge3A_243 : i1 to i32
      %cond3A_245 = arith.constant 0 : i32
      %cond3A_246 = arith.cmpi ne, %convert_element_type3A_244, %cond3A_245 : i32
      scf.if %cond3A_246 {
        %sub3A_366 = arith.constant 4 : i32
        %sub3A_367 = arith.subi %add3A_227, %sub3A_366 : i32
        %dma_wait3A_368 = arith.constant 0 : i32
        %dma_wait3A_369 = tpu.memref_slice %arg8[%sub3A_367, %dma_wait3A_368] : memref<80x128xi32, #tpu.memory_space<vmem>> -> memref<1x128xi32, #tpu.memory_space<vmem>>
        %dma_wait3A_370 = tpu.memref_squeeze %dma_wait3A_369 : memref<1x128xi32, #tpu.memory_space<vmem>> -> memref<128xi32, #tpu.memory_space<vmem>>
        %dma_wait3A_371 = arith.constant 0 : i32
        %dma_wait3A_372 = arith.constant 0 : i32
        %dma_wait3A_373 = tpu.memref_slice %arg19[%dma_wait3A_371, %dma_wait3A_372] : memref<10112x16xf32, #tpu.memory_space<vmem_shared>> -> memref<10112x16xf32, #tpu.memory_space<vmem_shared>>
        tpu.wait_indirect_dma semaphore(%arg36 : memref<!tpu.dma_semaphore, #tpu.memory_space<semaphore_mem>>) src(%arg16 : memref<128x16xf32, #tpu.memory_space<vmem>>) dst(%dma_wait3A_373 : memref<10112x16xf32, #tpu.memory_space<vmem_shared>>)
      } else {
      }
      %add3A_247 = arith.constant 4 : i32
      %add3A_248 = arith.addi %add3A_227, %add3A_247 : i32
      %lt3A_249 = arith.constant 80 : i32
      %lt3A_250 = arith.cmpi slt, %add3A_248, %lt3A_249 : i32
      %convert_element_type3A_251 = arith.extui %lt3A_250 : i1 to i32
      %cond3A_252 = arith.constant 0 : i32
      %cond3A_253 = arith.cmpi ne, %convert_element_type3A_251, %cond3A_252 : i32
      scf.if %cond3A_253 {
        %add3A_366 = arith.constant 4 : i32
        %add3A_367 = arith.addi %add3A_227, %add3A_366 : i32
        %dma_start3A_368 = arith.constant 0 : i32
        %dma_start3A_369 = tpu.memref_slice %arg7[%add3A_367, %dma_start3A_368] : memref<80x128xi32, #tpu.memory_space<vmem>> -> memref<1x128xi32, #tpu.memory_space<vmem>>
        %dma_start3A_370 = tpu.memref_squeeze %dma_start3A_369 : memref<1x128xi32, #tpu.memory_space<vmem>> -> memref<128xi32, #tpu.memory_space<vmem>>
        %dma_start3A_371 = arith.constant 0 : i32
        %dma_start3A_372 = arith.constant 0 : i32
        %dma_start3A_373 = tpu.memref_slice %arg20[%dma_start3A_371, %dma_start3A_372] : memref<10112x16xf32, #tpu.memory_space<vmem_shared>> -> memref<10112x16xf32, #tpu.memory_space<vmem_shared>>
        tpu.enqueue_indirect_dma source(%dma_start3A_373 : memref<10112x16xf32, #tpu.memory_space<vmem_shared>>) target(%arg16 : memref<128x16xf32, #tpu.memory_space<vmem>>) offsets(%dma_start3A_370 : memref<128xi32, #tpu.memory_space<vmem>>) semaphore(%arg28 : memref<!tpu.dma_semaphore, #tpu.memory_space<semaphore_mem>>)
      } else {
      }
      %add3A_254 = arith.constant 4 : i32
      %add3A_255 = arith.addi %mul3A_146, %add3A_254 : i32
      %dma_wait3A_256 = arith.constant 0 : i32
      %dma_wait3A_257 = tpu.memref_slice %arg7[%add3A_255, %dma_wait3A_256] : memref<80x128xi32, #tpu.memory_space<vmem>> -> memref<1x128xi32, #tpu.memory_space<vmem>>
      %dma_wait3A_258 = tpu.memref_squeeze %dma_wait3A_257 : memref<1x128xi32, #tpu.memory_space<vmem>> -> memref<128xi32, #tpu.memory_space<vmem>>
      %dma_wait3A_259 = arith.constant 0 : i32
      %dma_wait3A_260 = arith.constant 0 : i32
      %dma_wait3A_261 = tpu.memref_slice %arg20[%dma_wait3A_259, %dma_wait3A_260] : memref<10112x16xf32, #tpu.memory_space<vmem_shared>> -> memref<10112x16xf32, #tpu.memory_space<vmem_shared>>
      tpu.wait_indirect_dma semaphore(%arg25 : memref<!tpu.dma_semaphore, #tpu.memory_space<semaphore_mem>>) src(%dma_wait3A_261 : memref<10112x16xf32, #tpu.memory_space<vmem_shared>>) dst(%arg13 : memref<128x16xf32, #tpu.memory_space<vmem>>)
      %dma_start3A_262 = arith.constant 0 : i32
      %dma_start3A_263 = tpu.memref_slice %arg8[%add3A_255, %dma_start3A_262] : memref<80x128xi32, #tpu.memory_space<vmem>> -> memref<1x128xi32, #tpu.memory_space<vmem>>
      %dma_start3A_264 = tpu.memref_squeeze %dma_start3A_263 : memref<1x128xi32, #tpu.memory_space<vmem>> -> memref<128xi32, #tpu.memory_space<vmem>>
      %dma_start3A_265 = arith.constant 0 : i32
      %dma_start3A_266 = arith.constant 0 : i32
      %dma_start3A_267 = tpu.memref_slice %arg19[%dma_start3A_265, %dma_start3A_266] : memref<10112x16xf32, #tpu.memory_space<vmem_shared>> -> memref<10112x16xf32, #tpu.memory_space<vmem_shared>>
      tpu.enqueue_indirect_dma source(%arg13 : memref<128x16xf32, #tpu.memory_space<vmem>>) target(%dma_start3A_267 : memref<10112x16xf32, #tpu.memory_space<vmem_shared>>) offsets(%dma_start3A_264 : memref<128xi32, #tpu.memory_space<vmem>>) semaphore(%arg33 : memref<!tpu.dma_semaphore, #tpu.memory_space<semaphore_mem>>) {add = true}
      %sub3A_268 = arith.constant 4 : i32
      %sub3A_269 = arith.subi %add3A_255, %sub3A_268 : i32
      %ge3A_270 = arith.constant 0 : i32
      %ge3A_271 = arith.cmpi sge, %sub3A_269, %ge3A_270 : i32
      %convert_element_type3A_272 = arith.extui %ge3A_271 : i1 to i32
      %cond3A_273 = arith.constant 0 : i32
      %cond3A_274 = arith.cmpi ne, %convert_element_type3A_272, %cond3A_273 : i32
      scf.if %cond3A_274 {
        %sub3A_366 = arith.constant 4 : i32
        %sub3A_367 = arith.subi %add3A_255, %sub3A_366 : i32
        %dma_wait3A_368 = arith.constant 0 : i32
        %dma_wait3A_369 = tpu.memref_slice %arg8[%sub3A_367, %dma_wait3A_368] : memref<80x128xi32, #tpu.memory_space<vmem>> -> memref<1x128xi32, #tpu.memory_space<vmem>>
        %dma_wait3A_370 = tpu.memref_squeeze %dma_wait3A_369 : memref<1x128xi32, #tpu.memory_space<vmem>> -> memref<128xi32, #tpu.memory_space<vmem>>
        %dma_wait3A_371 = arith.constant 0 : i32
        %dma_wait3A_372 = arith.constant 0 : i32
        %dma_wait3A_373 = tpu.memref_slice %arg19[%dma_wait3A_371, %dma_wait3A_372] : memref<10112x16xf32, #tpu.memory_space<vmem_shared>> -> memref<10112x16xf32, #tpu.memory_space<vmem_shared>>
        tpu.wait_indirect_dma semaphore(%arg29 : memref<!tpu.dma_semaphore, #tpu.memory_space<semaphore_mem>>) src(%arg9 : memref<128x16xf32, #tpu.memory_space<vmem>>) dst(%dma_wait3A_373 : memref<10112x16xf32, #tpu.memory_space<vmem_shared>>)
      } else {
      }
      %add3A_275 = arith.constant 4 : i32
      %add3A_276 = arith.addi %add3A_255, %add3A_275 : i32
      %lt3A_277 = arith.constant 80 : i32
      %lt3A_278 = arith.cmpi slt, %add3A_276, %lt3A_277 : i32
      %convert_element_type3A_279 = arith.extui %lt3A_278 : i1 to i32
      %cond3A_280 = arith.constant 0 : i32
      %cond3A_281 = arith.cmpi ne, %convert_element_type3A_279, %cond3A_280 : i32
      scf.if %cond3A_281 {
        %add3A_366 = arith.constant 4 : i32
        %add3A_367 = arith.addi %add3A_255, %add3A_366 : i32
        %dma_start3A_368 = arith.constant 0 : i32
        %dma_start3A_369 = tpu.memref_slice %arg7[%add3A_367, %dma_start3A_368] : memref<80x128xi32, #tpu.memory_space<vmem>> -> memref<1x128xi32, #tpu.memory_space<vmem>>
        %dma_start3A_370 = tpu.memref_squeeze %dma_start3A_369 : memref<1x128xi32, #tpu.memory_space<vmem>> -> memref<128xi32, #tpu.memory_space<vmem>>
        %dma_start3A_371 = arith.constant 0 : i32
        %dma_start3A_372 = arith.constant 0 : i32
        %dma_start3A_373 = tpu.memref_slice %arg20[%dma_start3A_371, %dma_start3A_372] : memref<10112x16xf32, #tpu.memory_space<vmem_shared>> -> memref<10112x16xf32, #tpu.memory_space<vmem_shared>>
        tpu.enqueue_indirect_dma source(%dma_start3A_373 : memref<10112x16xf32, #tpu.memory_space<vmem_shared>>) target(%arg9 : memref<128x16xf32, #tpu.memory_space<vmem>>) offsets(%dma_start3A_370 : memref<128xi32, #tpu.memory_space<vmem>>) semaphore(%arg21 : memref<!tpu.dma_semaphore, #tpu.memory_space<semaphore_mem>>)
      } else {
      }
      %add3A_282 = arith.constant 5 : i32
      %add3A_283 = arith.addi %mul3A_146, %add3A_282 : i32
      %dma_wait3A_284 = arith.constant 0 : i32
      %dma_wait3A_285 = tpu.memref_slice %arg7[%add3A_283, %dma_wait3A_284] : memref<80x128xi32, #tpu.memory_space<vmem>> -> memref<1x128xi32, #tpu.memory_space<vmem>>
      %dma_wait3A_286 = tpu.memref_squeeze %dma_wait3A_285 : memref<1x128xi32, #tpu.memory_space<vmem>> -> memref<128xi32, #tpu.memory_space<vmem>>
      %dma_wait3A_287 = arith.constant 0 : i32
      %dma_wait3A_288 = arith.constant 0 : i32
      %dma_wait3A_289 = tpu.memref_slice %arg20[%dma_wait3A_287, %dma_wait3A_288] : memref<10112x16xf32, #tpu.memory_space<vmem_shared>> -> memref<10112x16xf32, #tpu.memory_space<vmem_shared>>
      tpu.wait_indirect_dma semaphore(%arg26 : memref<!tpu.dma_semaphore, #tpu.memory_space<semaphore_mem>>) src(%dma_wait3A_289 : memref<10112x16xf32, #tpu.memory_space<vmem_shared>>) dst(%arg14 : memref<128x16xf32, #tpu.memory_space<vmem>>)
      %dma_start3A_290 = arith.constant 0 : i32
      %dma_start3A_291 = tpu.memref_slice %arg8[%add3A_283, %dma_start3A_290] : memref<80x128xi32, #tpu.memory_space<vmem>> -> memref<1x128xi32, #tpu.memory_space<vmem>>
      %dma_start3A_292 = tpu.memref_squeeze %dma_start3A_291 : memref<1x128xi32, #tpu.memory_space<vmem>> -> memref<128xi32, #tpu.memory_space<vmem>>
      %dma_start3A_293 = arith.constant 0 : i32
      %dma_start3A_294 = arith.constant 0 : i32
      %dma_start3A_295 = tpu.memref_slice %arg19[%dma_start3A_293, %dma_start3A_294] : memref<10112x16xf32, #tpu.memory_space<vmem_shared>> -> memref<10112x16xf32, #tpu.memory_space<vmem_shared>>
      tpu.enqueue_indirect_dma source(%arg14 : memref<128x16xf32, #tpu.memory_space<vmem>>) target(%dma_start3A_295 : memref<10112x16xf32, #tpu.memory_space<vmem_shared>>) offsets(%dma_start3A_292 : memref<128xi32, #tpu.memory_space<vmem>>) semaphore(%arg34 : memref<!tpu.dma_semaphore, #tpu.memory_space<semaphore_mem>>) {add = true}
      %sub3A_296 = arith.constant 4 : i32
      %sub3A_297 = arith.subi %add3A_283, %sub3A_296 : i32
      %ge3A_298 = arith.constant 0 : i32
      %ge3A_299 = arith.cmpi sge, %sub3A_297, %ge3A_298 : i32
      %convert_element_type3A_300 = arith.extui %ge3A_299 : i1 to i32
      %cond3A_301 = arith.constant 0 : i32
      %cond3A_302 = arith.cmpi ne, %convert_element_type3A_300, %cond3A_301 : i32
      scf.if %cond3A_302 {
        %sub3A_366 = arith.constant 4 : i32
        %sub3A_367 = arith.subi %add3A_283, %sub3A_366 : i32
        %dma_wait3A_368 = arith.constant 0 : i32
        %dma_wait3A_369 = tpu.memref_slice %arg8[%sub3A_367, %dma_wait3A_368] : memref<80x128xi32, #tpu.memory_space<vmem>> -> memref<1x128xi32, #tpu.memory_space<vmem>>
        %dma_wait3A_370 = tpu.memref_squeeze %dma_wait3A_369 : memref<1x128xi32, #tpu.memory_space<vmem>> -> memref<128xi32, #tpu.memory_space<vmem>>
        %dma_wait3A_371 = arith.constant 0 : i32
        %dma_wait3A_372 = arith.constant 0 : i32
        %dma_wait3A_373 = tpu.memref_slice %arg19[%dma_wait3A_371, %dma_wait3A_372] : memref<10112x16xf32, #tpu.memory_space<vmem_shared>> -> memref<10112x16xf32, #tpu.memory_space<vmem_shared>>
        tpu.wait_indirect_dma semaphore(%arg30 : memref<!tpu.dma_semaphore, #tpu.memory_space<semaphore_mem>>) src(%arg10 : memref<128x16xf32, #tpu.memory_space<vmem>>) dst(%dma_wait3A_373 : memref<10112x16xf32, #tpu.memory_space<vmem_shared>>)
      } else {
      }
      %add3A_303 = arith.constant 4 : i32
      %add3A_304 = arith.addi %add3A_283, %add3A_303 : i32
      %lt3A_305 = arith.constant 80 : i32
      %lt3A_306 = arith.cmpi slt, %add3A_304, %lt3A_305 : i32
      %convert_element_type3A_307 = arith.extui %lt3A_306 : i1 to i32
      %cond3A_308 = arith.constant 0 : i32
      %cond3A_309 = arith.cmpi ne, %convert_element_type3A_307, %cond3A_308 : i32
      scf.if %cond3A_309 {
        %add3A_366 = arith.constant 4 : i32
        %add3A_367 = arith.addi %add3A_283, %add3A_366 : i32
        %dma_start3A_368 = arith.constant 0 : i32
        %dma_start3A_369 = tpu.memref_slice %arg7[%add3A_367, %dma_start3A_368] : memref<80x128xi32, #tpu.memory_space<vmem>> -> memref<1x128xi32, #tpu.memory_space<vmem>>
        %dma_start3A_370 = tpu.memref_squeeze %dma_start3A_369 : memref<1x128xi32, #tpu.memory_space<vmem>> -> memref<128xi32, #tpu.memory_space<vmem>>
        %dma_start3A_371 = arith.constant 0 : i32
        %dma_start3A_372 = arith.constant 0 : i32
        %dma_start3A_373 = tpu.memref_slice %arg20[%dma_start3A_371, %dma_start3A_372] : memref<10112x16xf32, #tpu.memory_space<vmem_shared>> -> memref<10112x16xf32, #tpu.memory_space<vmem_shared>>
        tpu.enqueue_indirect_dma source(%dma_start3A_373 : memref<10112x16xf32, #tpu.memory_space<vmem_shared>>) target(%arg10 : memref<128x16xf32, #tpu.memory_space<vmem>>) offsets(%dma_start3A_370 : memref<128xi32, #tpu.memory_space<vmem>>) semaphore(%arg22 : memref<!tpu.dma_semaphore, #tpu.memory_space<semaphore_mem>>)
      } else {
      }
      %add3A_310 = arith.constant 6 : i32
      %add3A_311 = arith.addi %mul3A_146, %add3A_310 : i32
      %dma_wait3A_312 = arith.constant 0 : i32
      %dma_wait3A_313 = tpu.memref_slice %arg7[%add3A_311, %dma_wait3A_312] : memref<80x128xi32, #tpu.memory_space<vmem>> -> memref<1x128xi32, #tpu.memory_space<vmem>>
      %dma_wait3A_314 = tpu.memref_squeeze %dma_wait3A_313 : memref<1x128xi32, #tpu.memory_space<vmem>> -> memref<128xi32, #tpu.memory_space<vmem>>
      %dma_wait3A_315 = arith.constant 0 : i32
      %dma_wait3A_316 = arith.constant 0 : i32
      %dma_wait3A_317 = tpu.memref_slice %arg20[%dma_wait3A_315, %dma_wait3A_316] : memref<10112x16xf32, #tpu.memory_space<vmem_shared>> -> memref<10112x16xf32, #tpu.memory_space<vmem_shared>>
      tpu.wait_indirect_dma semaphore(%arg27 : memref<!tpu.dma_semaphore, #tpu.memory_space<semaphore_mem>>) src(%dma_wait3A_317 : memref<10112x16xf32, #tpu.memory_space<vmem_shared>>) dst(%arg15 : memref<128x16xf32, #tpu.memory_space<vmem>>)
      %dma_start3A_318 = arith.constant 0 : i32
      %dma_start3A_319 = tpu.memref_slice %arg8[%add3A_311, %dma_start3A_318] : memref<80x128xi32, #tpu.memory_space<vmem>> -> memref<1x128xi32, #tpu.memory_space<vmem>>
      %dma_start3A_320 = tpu.memref_squeeze %dma_start3A_319 : memref<1x128xi32, #tpu.memory_space<vmem>> -> memref<128xi32, #tpu.memory_space<vmem>>
      %dma_start3A_321 = arith.constant 0 : i32
      %dma_start3A_322 = arith.constant 0 : i32
      %dma_start3A_323 = tpu.memref_slice %arg19[%dma_start3A_321, %dma_start3A_322] : memref<10112x16xf32, #tpu.memory_space<vmem_shared>> -> memref<10112x16xf32, #tpu.memory_space<vmem_shared>>
      tpu.enqueue_indirect_dma source(%arg15 : memref<128x16xf32, #tpu.memory_space<vmem>>) target(%dma_start3A_323 : memref<10112x16xf32, #tpu.memory_space<vmem_shared>>) offsets(%dma_start3A_320 : memref<128xi32, #tpu.memory_space<vmem>>) semaphore(%arg35 : memref<!tpu.dma_semaphore, #tpu.memory_space<semaphore_mem>>) {add = true}
      %sub3A_324 = arith.constant 4 : i32
      %sub3A_325 = arith.subi %add3A_311, %sub3A_324 : i32
      %ge3A_326 = arith.constant 0 : i32
      %ge3A_327 = arith.cmpi sge, %sub3A_325, %ge3A_326 : i32
      %convert_element_type3A_328 = arith.extui %ge3A_327 : i1 to i32
      %cond3A_329 = arith.constant 0 : i32
      %cond3A_330 = arith.cmpi ne, %convert_element_type3A_328, %cond3A_329 : i32
      scf.if %cond3A_330 {
        %sub3A_366 = arith.constant 4 : i32
        %sub3A_367 = arith.subi %add3A_311, %sub3A_366 : i32
        %dma_wait3A_368 = arith.constant 0 : i32
        %dma_wait3A_369 = tpu.memref_slice %arg8[%sub3A_367, %dma_wait3A_368] : memref<80x128xi32, #tpu.memory_space<vmem>> -> memref<1x128xi32, #tpu.memory_space<vmem>>
        %dma_wait3A_370 = tpu.memref_squeeze %dma_wait3A_369 : memref<1x128xi32, #tpu.memory_space<vmem>> -> memref<128xi32, #tpu.memory_space<vmem>>
        %dma_wait3A_371 = arith.constant 0 : i32
        %dma_wait3A_372 = arith.constant 0 : i32
        %dma_wait3A_373 = tpu.memref_slice %arg19[%dma_wait3A_371, %dma_wait3A_372] : memref<10112x16xf32, #tpu.memory_space<vmem_shared>> -> memref<10112x16xf32, #tpu.memory_space<vmem_shared>>
        tpu.wait_indirect_dma semaphore(%arg31 : memref<!tpu.dma_semaphore, #tpu.memory_space<semaphore_mem>>) src(%arg11 : memref<128x16xf32, #tpu.memory_space<vmem>>) dst(%dma_wait3A_373 : memref<10112x16xf32, #tpu.memory_space<vmem_shared>>)
      } else {
      }
      %add3A_331 = arith.constant 4 : i32
      %add3A_332 = arith.addi %add3A_311, %add3A_331 : i32
      %lt3A_333 = arith.constant 80 : i32
      %lt3A_334 = arith.cmpi slt, %add3A_332, %lt3A_333 : i32
      %convert_element_type3A_335 = arith.extui %lt3A_334 : i1 to i32
      %cond3A_336 = arith.constant 0 : i32
      %cond3A_337 = arith.cmpi ne, %convert_element_type3A_335, %cond3A_336 : i32
      scf.if %cond3A_337 {
        %add3A_366 = arith.constant 4 : i32
        %add3A_367 = arith.addi %add3A_311, %add3A_366 : i32
        %dma_start3A_368 = arith.constant 0 : i32
        %dma_start3A_369 = tpu.memref_slice %arg7[%add3A_367, %dma_start3A_368] : memref<80x128xi32, #tpu.memory_space<vmem>> -> memref<1x128xi32, #tpu.memory_space<vmem>>
        %dma_start3A_370 = tpu.memref_squeeze %dma_start3A_369 : memref<1x128xi32, #tpu.memory_space<vmem>> -> memref<128xi32, #tpu.memory_space<vmem>>
        %dma_start3A_371 = arith.constant 0 : i32
        %dma_start3A_372 = arith.constant 0 : i32
        %dma_start3A_373 = tpu.memref_slice %arg20[%dma_start3A_371, %dma_start3A_372] : memref<10112x16xf32, #tpu.memory_space<vmem_shared>> -> memref<10112x16xf32, #tpu.memory_space<vmem_shared>>
        tpu.enqueue_indirect_dma source(%dma_start3A_373 : memref<10112x16xf32, #tpu.memory_space<vmem_shared>>) target(%arg11 : memref<128x16xf32, #tpu.memory_space<vmem>>) offsets(%dma_start3A_370 : memref<128xi32, #tpu.memory_space<vmem>>) semaphore(%arg23 : memref<!tpu.dma_semaphore, #tpu.memory_space<semaphore_mem>>)
      } else {
      }
      %add3A_338 = arith.constant 7 : i32
      %add3A_339 = arith.addi %mul3A_146, %add3A_338 : i32
      %dma_wait3A_340 = arith.constant 0 : i32
      %dma_wait3A_341 = tpu.memref_slice %arg7[%add3A_339, %dma_wait3A_340] : memref<80x128xi32, #tpu.memory_space<vmem>> -> memref<1x128xi32, #tpu.memory_space<vmem>>
      %dma_wait3A_342 = tpu.memref_squeeze %dma_wait3A_341 : memref<1x128xi32, #tpu.memory_space<vmem>> -> memref<128xi32, #tpu.memory_space<vmem>>
      %dma_wait3A_343 = arith.constant 0 : i32
      %dma_wait3A_344 = arith.constant 0 : i32
      %dma_wait3A_345 = tpu.memref_slice %arg20[%dma_wait3A_343, %dma_wait3A_344] : memref<10112x16xf32, #tpu.memory_space<vmem_shared>> -> memref<10112x16xf32, #tpu.memory_space<vmem_shared>>
      tpu.wait_indirect_dma semaphore(%arg28 : memref<!tpu.dma_semaphore, #tpu.memory_space<semaphore_mem>>) src(%dma_wait3A_345 : memref<10112x16xf32, #tpu.memory_space<vmem_shared>>) dst(%arg16 : memref<128x16xf32, #tpu.memory_space<vmem>>)
      %dma_start3A_346 = arith.constant 0 : i32
      %dma_start3A_347 = tpu.memref_slice %arg8[%add3A_339, %dma_start3A_346] : memref<80x128xi32, #tpu.memory_space<vmem>> -> memref<1x128xi32, #tpu.memory_space<vmem>>
      %dma_start3A_348 = tpu.memref_squeeze %dma_start3A_347 : memref<1x128xi32, #tpu.memory_space<vmem>> -> memref<128xi32, #tpu.memory_space<vmem>>
      %dma_start3A_349 = arith.constant 0 : i32
      %dma_start3A_350 = arith.constant 0 : i32
      %dma_start3A_351 = tpu.memref_slice %arg19[%dma_start3A_349, %dma_start3A_350] : memref<10112x16xf32, #tpu.memory_space<vmem_shared>> -> memref<10112x16xf32, #tpu.memory_space<vmem_shared>>
      tpu.enqueue_indirect_dma source(%arg16 : memref<128x16xf32, #tpu.memory_space<vmem>>) target(%dma_start3A_351 : memref<10112x16xf32, #tpu.memory_space<vmem_shared>>) offsets(%dma_start3A_348 : memref<128xi32, #tpu.memory_space<vmem>>) semaphore(%arg36 : memref<!tpu.dma_semaphore, #tpu.memory_space<semaphore_mem>>) {add = true}
      %sub3A_352 = arith.constant 4 : i32
      %sub3A_353 = arith.subi %add3A_339, %sub3A_352 : i32
      %ge3A_354 = arith.constant 0 : i32
      %ge3A_355 = arith.cmpi sge, %sub3A_353, %ge3A_354 : i32
      %convert_element_type3A_356 = arith.extui %ge3A_355 : i1 to i32
      %cond3A_357 = arith.constant 0 : i32
      %cond3A_358 = arith.cmpi ne, %convert_element_type3A_356, %cond3A_357 : i32
      scf.if %cond3A_358 {
        %sub3A_366 = arith.constant 4 : i32
        %sub3A_367 = arith.subi %add3A_339, %sub3A_366 : i32
        %dma_wait3A_368 = arith.constant 0 : i32
        %dma_wait3A_369 = tpu.memref_slice %arg8[%sub3A_367, %dma_wait3A_368] : memref<80x128xi32, #tpu.memory_space<vmem>> -> memref<1x128xi32, #tpu.memory_space<vmem>>
        %dma_wait3A_370 = tpu.memref_squeeze %dma_wait3A_369 : memref<1x128xi32, #tpu.memory_space<vmem>> -> memref<128xi32, #tpu.memory_space<vmem>>
        %dma_wait3A_371 = arith.constant 0 : i32
        %dma_wait3A_372 = arith.constant 0 : i32
        %dma_wait3A_373 = tpu.memref_slice %arg19[%dma_wait3A_371, %dma_wait3A_372] : memref<10112x16xf32, #tpu.memory_space<vmem_shared>> -> memref<10112x16xf32, #tpu.memory_space<vmem_shared>>
        tpu.wait_indirect_dma semaphore(%arg32 : memref<!tpu.dma_semaphore, #tpu.memory_space<semaphore_mem>>) src(%arg12 : memref<128x16xf32, #tpu.memory_space<vmem>>) dst(%dma_wait3A_373 : memref<10112x16xf32, #tpu.memory_space<vmem_shared>>)
      } else {
      }
      %add3A_359 = arith.constant 4 : i32
      %add3A_360 = arith.addi %add3A_339, %add3A_359 : i32
      %lt3A_361 = arith.constant 80 : i32
      %lt3A_362 = arith.cmpi slt, %add3A_360, %lt3A_361 : i32
      %convert_element_type3A_363 = arith.extui %lt3A_362 : i1 to i32
      %cond3A_364 = arith.constant 0 : i32
      %cond3A_365 = arith.cmpi ne, %convert_element_type3A_363, %cond3A_364 : i32
      scf.if %cond3A_365 {
        %add3A_366 = arith.constant 4 : i32
        %add3A_367 = arith.addi %add3A_339, %add3A_366 : i32
        %dma_start3A_368 = arith.constant 0 : i32
        %dma_start3A_369 = tpu.memref_slice %arg7[%add3A_367, %dma_start3A_368] : memref<80x128xi32, #tpu.memory_space<vmem>> -> memref<1x128xi32, #tpu.memory_space<vmem>>
        %dma_start3A_370 = tpu.memref_squeeze %dma_start3A_369 : memref<1x128xi32, #tpu.memory_space<vmem>> -> memref<128xi32, #tpu.memory_space<vmem>>
        %dma_start3A_371 = arith.constant 0 : i32
        %dma_start3A_372 = arith.constant 0 : i32
        %dma_start3A_373 = tpu.memref_slice %arg20[%dma_start3A_371, %dma_start3A_372] : memref<10112x16xf32, #tpu.memory_space<vmem_shared>> -> memref<10112x16xf32, #tpu.memory_space<vmem_shared>>
        tpu.enqueue_indirect_dma source(%dma_start3A_373 : memref<10112x16xf32, #tpu.memory_space<vmem_shared>>) target(%arg12 : memref<128x16xf32, #tpu.memory_space<vmem>>) offsets(%dma_start3A_370 : memref<128xi32, #tpu.memory_space<vmem>>) semaphore(%arg24 : memref<!tpu.dma_semaphore, #tpu.memory_space<semaphore_mem>>)
      } else {
      }
    }
    %scan3A_107 = arith.constant 10 : i32
    %dma_wait3A_108 = arith.constant 76 : i32
    %dma_wait3A_109 = arith.constant 0 : i32
    %dma_wait3A_110 = tpu.memref_slice %arg8[%dma_wait3A_108, %dma_wait3A_109] : memref<80x128xi32, #tpu.memory_space<vmem>> -> memref<1x128xi32, #tpu.memory_space<vmem>>
    %dma_wait3A_111 = tpu.memref_squeeze %dma_wait3A_110 : memref<1x128xi32, #tpu.memory_space<vmem>> -> memref<128xi32, #tpu.memory_space<vmem>>
    %dma_wait3A_112 = arith.constant 0 : i32
    %dma_wait3A_113 = arith.constant 0 : i32
    %dma_wait3A_114 = tpu.memref_slice %arg19[%dma_wait3A_112, %dma_wait3A_113] : memref<10112x16xf32, #tpu.memory_space<vmem_shared>> -> memref<10112x16xf32, #tpu.memory_space<vmem_shared>>
    tpu.wait_indirect_dma semaphore(%arg33 : memref<!tpu.dma_semaphore, #tpu.memory_space<semaphore_mem>>) src(%arg13 : memref<128x16xf32, #tpu.memory_space<vmem>>) dst(%dma_wait3A_114 : memref<10112x16xf32, #tpu.memory_space<vmem_shared>>)
    %dma_wait3A_115 = arith.constant 77 : i32
    %dma_wait3A_116 = arith.constant 0 : i32
    %dma_wait3A_117 = tpu.memref_slice %arg8[%dma_wait3A_115, %dma_wait3A_116] : memref<80x128xi32, #tpu.memory_space<vmem>> -> memref<1x128xi32, #tpu.memory_space<vmem>>
    %dma_wait3A_118 = tpu.memref_squeeze %dma_wait3A_117 : memref<1x128xi32, #tpu.memory_space<vmem>> -> memref<128xi32, #tpu.memory_space<vmem>>
    %dma_wait3A_119 = arith.constant 0 : i32
    %dma_wait3A_120 = arith.constant 0 : i32
    %dma_wait3A_121 = tpu.memref_slice %arg19[%dma_wait3A_119, %dma_wait3A_120] : memref<10112x16xf32, #tpu.memory_space<vmem_shared>> -> memref<10112x16xf32, #tpu.memory_space<vmem_shared>>
    tpu.wait_indirect_dma semaphore(%arg34 : memref<!tpu.dma_semaphore, #tpu.memory_space<semaphore_mem>>) src(%arg14 : memref<128x16xf32, #tpu.memory_space<vmem>>) dst(%dma_wait3A_121 : memref<10112x16xf32, #tpu.memory_space<vmem_shared>>)
    %dma_wait3A_122 = arith.constant 78 : i32
    %dma_wait3A_123 = arith.constant 0 : i32
    %dma_wait3A_124 = tpu.memref_slice %arg8[%dma_wait3A_122, %dma_wait3A_123] : memref<80x128xi32, #tpu.memory_space<vmem>> -> memref<1x128xi32, #tpu.memory_space<vmem>>
    %dma_wait3A_125 = tpu.memref_squeeze %dma_wait3A_124 : memref<1x128xi32, #tpu.memory_space<vmem>> -> memref<128xi32, #tpu.memory_space<vmem>>
    %dma_wait3A_126 = arith.constant 0 : i32
    %dma_wait3A_127 = arith.constant 0 : i32
    %dma_wait3A_128 = tpu.memref_slice %arg19[%dma_wait3A_126, %dma_wait3A_127] : memref<10112x16xf32, #tpu.memory_space<vmem_shared>> -> memref<10112x16xf32, #tpu.memory_space<vmem_shared>>
    tpu.wait_indirect_dma semaphore(%arg35 : memref<!tpu.dma_semaphore, #tpu.memory_space<semaphore_mem>>) src(%arg15 : memref<128x16xf32, #tpu.memory_space<vmem>>) dst(%dma_wait3A_128 : memref<10112x16xf32, #tpu.memory_space<vmem_shared>>)
    %dma_wait3A_129 = arith.constant 79 : i32
    %dma_wait3A_130 = arith.constant 0 : i32
    %dma_wait3A_131 = tpu.memref_slice %arg8[%dma_wait3A_129, %dma_wait3A_130] : memref<80x128xi32, #tpu.memory_space<vmem>> -> memref<1x128xi32, #tpu.memory_space<vmem>>
    %dma_wait3A_132 = tpu.memref_squeeze %dma_wait3A_131 : memref<1x128xi32, #tpu.memory_space<vmem>> -> memref<128xi32, #tpu.memory_space<vmem>>
    %dma_wait3A_133 = arith.constant 0 : i32
    %dma_wait3A_134 = arith.constant 0 : i32
    %dma_wait3A_135 = tpu.memref_slice %arg19[%dma_wait3A_133, %dma_wait3A_134] : memref<10112x16xf32, #tpu.memory_space<vmem_shared>> -> memref<10112x16xf32, #tpu.memory_space<vmem_shared>>
    tpu.wait_indirect_dma semaphore(%arg36 : memref<!tpu.dma_semaphore, #tpu.memory_space<semaphore_mem>>) src(%arg16 : memref<128x16xf32, #tpu.memory_space<vmem>>) dst(%dma_wait3A_135 : memref<10112x16xf32, #tpu.memory_space<vmem_shared>>)
    %barrier3A_136 = arith.constant 0 : index
    tpu.barrier barrier_id(%barrier3A_136)
    %mul3A_137 = arith.constant 632 : i32
    %mul3A_138 = arith.muli %arg1, %mul3A_137 : i32
    %mul3A_139 = arith.constant 10112 : i32
    %mul3A_140 = arith.muli %arg0, %mul3A_139 : i32
    %mul3A_141 = arith.constant 632 : i32
    %mul3A_142 = arith.muli %arg1, %mul3A_141 : i32
    %add3A_143 = arith.addi %mul3A_140, %mul3A_142 : i32
    "tpu.region"() ({
      %run_scoped3A = tpu.sem_alloc : memref<!tpu.dma_semaphore, #tpu.memory_space<semaphore_mem>>
      %dma_start3A_144 = arith.constant 0 : i32
      %dma_start3A_145 = tpu.memref_slice %arg6[%add3A_143, %dma_start3A_144] : memref<20224x16xf32, #tpu.memory_space<hbm>> -> memref<632x16xf32, #tpu.memory_space<hbm>>
      %dma_start3A_146 = arith.constant 0 : i32
      %dma_start3A_147 = tpu.memref_slice %arg19[%mul3A_138, %dma_start3A_146] : memref<10112x16xf32, #tpu.memory_space<vmem_shared>> -> memref<632x16xf32, #tpu.memory_space<vmem_shared>>
      tpu.enqueue_dma source(%dma_start3A_147 : memref<632x16xf32, #tpu.memory_space<vmem_shared>>) target(%dma_start3A_145 : memref<632x16xf32, #tpu.memory_space<hbm>>) target_semaphore(%run_scoped3A : memref<!tpu.dma_semaphore, #tpu.memory_space<semaphore_mem>>)
      %dma_wait3A_148 = arith.constant 0 : i32
      %dma_wait3A_149 = tpu.memref_slice %arg6[%add3A_143, %dma_wait3A_148] : memref<20224x16xf32, #tpu.memory_space<hbm>> -> memref<632x16xf32, #tpu.memory_space<hbm>>
      %dma_wait3A_150 = arith.constant 0 : i32
      %dma_wait3A_151 = tpu.memref_slice %arg19[%mul3A_138, %dma_wait3A_150] : memref<10112x16xf32, #tpu.memory_space<vmem_shared>> -> memref<632x16xf32, #tpu.memory_space<vmem_shared>>
      tpu.wait_dma2 semaphore(%run_scoped3A : memref<!tpu.dma_semaphore, #tpu.memory_space<semaphore_mem>>) src(%dma_wait3A_151 : memref<632x16xf32, #tpu.memory_space<vmem_shared>>) dst(%dma_wait3A_149 : memref<632x16xf32, #tpu.memory_space<hbm>>)
      tpu.yield
    }) : () -> ()
    return
  }
}

#map = affine_map<(d0, d1) -> (0, 0)>
module attributes {stable_mosaic.version = 14 : i64} {
  func.func @mp(%arg0: i32, %arg1: i32, %arg2: memref<10112x16xf32, #tpu.memory_space<hbm>>, %arg3: memref<2560x128xi32, #tpu.memory_space<hbm>>, %arg4: memref<2560x128xi32, #tpu.memory_space<hbm>>, %arg5: memref<10112x16xf32, #tpu.memory_space<hbm>>, %arg6: memref<20224x16xf32, #tpu.memory_space<hbm>>, %arg7: memref<80x128xi32, #tpu.memory_space<vmem>>, %arg8: memref<80x128xi32, #tpu.memory_space<vmem>>, %arg9: memref<128x16xf32, #tpu.memory_space<vmem>>, %arg10: memref<128x16xf32, #tpu.memory_space<vmem>>, %arg11: memref<128x16xf32, #tpu.memory_space<vmem>>, %arg12: memref<128x16xf32, #tpu.memory_space<vmem>>, %arg13: memref<128x16xf32, #tpu.memory_space<vmem>>, %arg14: memref<128x16xf32, #tpu.memory_space<vmem>>, %arg15: memref<128x16xf32, #tpu.memory_space<vmem>>, %arg16: memref<128x16xf32, #tpu.memory_space<vmem>>, %arg17: memref<10112x16xf32, #tpu.memory_space<vmem_shared>>, %arg18: memref<10112x16xf32, #tpu.memory_space<vmem_shared>>, %arg19: memref<!tpu.dma_semaphore, #tpu.memory_space<semaphore_mem>>, %arg20: memref<!tpu.dma_semaphore, #tpu.memory_space<semaphore_mem>>, %arg21: memref<!tpu.dma_semaphore, #tpu.memory_space<semaphore_mem>>, %arg22: memref<!tpu.dma_semaphore, #tpu.memory_space<semaphore_mem>>, %arg23: memref<!tpu.dma_semaphore, #tpu.memory_space<semaphore_mem>>, %arg24: memref<!tpu.dma_semaphore, #tpu.memory_space<semaphore_mem>>, %arg25: memref<!tpu.dma_semaphore, #tpu.memory_space<semaphore_mem>>, %arg26: memref<!tpu.dma_semaphore, #tpu.memory_space<semaphore_mem>>, %arg27: memref<!tpu.dma_semaphore, #tpu.memory_space<semaphore_mem>>, %arg28: memref<!tpu.dma_semaphore, #tpu.memory_space<semaphore_mem>>, %arg29: memref<!tpu.dma_semaphore, #tpu.memory_space<semaphore_mem>>, %arg30: memref<!tpu.dma_semaphore, #tpu.memory_space<semaphore_mem>>, %arg31: memref<!tpu.dma_semaphore, #tpu.memory_space<semaphore_mem>>, %arg32: memref<!tpu.dma_semaphore, #tpu.memory_space<semaphore_mem>>, %arg33: memref<!tpu.dma_semaphore, #tpu.memory_space<semaphore_mem>>, %arg34: memref<!tpu.dma_semaphore, #tpu.memory_space<semaphore_mem>>, %arg35: memref<!tpu.dma_semaphore, #tpu.memory_space<semaphore_mem>>, %arg36: memref<!tpu.dma_semaphore, #tpu.memory_space<semaphore_mem>>, %arg37: memref<!tpu.dma_semaphore, #tpu.memory_space<semaphore_mem>>, %arg38: memref<!tpu.dma_semaphore, #tpu.memory_space<semaphore_mem>>) attributes {dimension_semantics = [#tpu.dimension_semantics<core_parallel>, #tpu.dimension_semantics<subcore_parallel>], iteration_bounds = array<i64: 2, 16>, scalar_prefetch = 0 : i64, scratch_operands = 32 : i64, tpu.core_type = #tpu.core_type<sc_vector_subcore>, window_params = [{transform_indices = #map}, {transform_indices = #map}, {transform_indices = #map}, {transform_indices = #map}, {transform_indices = #map}]} {
    %mul3A = arith.constant 16 : i32
    %mul3A_0 = arith.muli %arg0, %mul3A : i32
    %add3A = arith.addi %mul3A_0, %arg1 : i32
    %mul3A_1 = arith.constant 632 : i32
    %mul3A_2 = arith.muli %arg1, %mul3A_1 : i32
    %mul3A_3 = arith.constant 632 : i32
    %mul3A_4 = arith.muli %arg1, %mul3A_3 : i32
    %dma_start3A = arith.constant 0 : i32
    %dma_start3A_5 = tpu.memref_slice %arg18[%mul3A_4, %dma_start3A] : memref<10112x16xf32, #tpu.memory_space<vmem_shared>> -> memref<632x16xf32, #tpu.memory_space<vmem_shared>>
    %dma_start3A_6 = arith.constant 0 : i32
    %dma_start3A_7 = tpu.memref_slice %arg2[%mul3A_2, %dma_start3A_6] : memref<10112x16xf32, #tpu.memory_space<hbm>> -> memref<632x16xf32, #tpu.memory_space<hbm>>
    tpu.enqueue_dma source(%dma_start3A_7 : memref<632x16xf32, #tpu.memory_space<hbm>>) target(%dma_start3A_5 : memref<632x16xf32, #tpu.memory_space<vmem_shared>>) target_semaphore(%arg35 : memref<!tpu.dma_semaphore, #tpu.memory_space<semaphore_mem>>)
    %mul3A_8 = arith.constant 632 : i32
    %mul3A_9 = arith.muli %arg1, %mul3A_8 : i32
    %mul3A_10 = arith.constant 632 : i32
    %mul3A_11 = arith.muli %arg1, %mul3A_10 : i32
    %dma_start3A_12 = arith.constant 0 : i32
    %dma_start3A_13 = tpu.memref_slice %arg17[%mul3A_11, %dma_start3A_12] : memref<10112x16xf32, #tpu.memory_space<vmem_shared>> -> memref<632x16xf32, #tpu.memory_space<vmem_shared>>
    %dma_start3A_14 = arith.constant 0 : i32
    %dma_start3A_15 = tpu.memref_slice %arg5[%mul3A_9, %dma_start3A_14] : memref<10112x16xf32, #tpu.memory_space<hbm>> -> memref<632x16xf32, #tpu.memory_space<hbm>>
    tpu.enqueue_dma source(%dma_start3A_15 : memref<632x16xf32, #tpu.memory_space<hbm>>) target(%dma_start3A_13 : memref<632x16xf32, #tpu.memory_space<vmem_shared>>) target_semaphore(%arg36 : memref<!tpu.dma_semaphore, #tpu.memory_space<semaphore_mem>>)
    %mul3A_16 = arith.constant 80 : i32
    %mul3A_17 = arith.muli %add3A, %mul3A_16 : i32
    %dma_start3A_18 = arith.constant 0 : i32
    %dma_start3A_19 = tpu.memref_slice %arg3[%mul3A_17, %dma_start3A_18] : memref<2560x128xi32, #tpu.memory_space<hbm>> -> memref<80x128xi32, #tpu.memory_space<hbm>>
    %dma_start3A_20 = arith.constant 0 : i32
    %dma_start3A_21 = tpu.memref_slice %arg3[%mul3A_17, %dma_start3A_20] : memref<2560x128xi32, #tpu.memory_space<hbm>> -> memref<80x128xi32, #tpu.memory_space<hbm>>
    tpu.enqueue_dma source(%dma_start3A_21 : memref<80x128xi32, #tpu.memory_space<hbm>>) target(%arg7 : memref<80x128xi32, #tpu.memory_space<vmem>>) target_semaphore(%arg37 : memref<!tpu.dma_semaphore, #tpu.memory_space<semaphore_mem>>)
    %mul3A_22 = arith.constant 80 : i32
    %mul3A_23 = arith.muli %add3A, %mul3A_22 : i32
    %dma_start3A_24 = arith.constant 0 : i32
    %dma_start3A_25 = tpu.memref_slice %arg4[%mul3A_23, %dma_start3A_24] : memref<2560x128xi32, #tpu.memory_space<hbm>> -> memref<80x128xi32, #tpu.memory_space<hbm>>
    %dma_start3A_26 = arith.constant 0 : i32
    %dma_start3A_27 = tpu.memref_slice %arg4[%mul3A_23, %dma_start3A_26] : memref<2560x128xi32, #tpu.memory_space<hbm>> -> memref<80x128xi32, #tpu.memory_space<hbm>>
    tpu.enqueue_dma source(%dma_start3A_27 : memref<80x128xi32, #tpu.memory_space<hbm>>) target(%arg8 : memref<80x128xi32, #tpu.memory_space<vmem>>) target_semaphore(%arg38 : memref<!tpu.dma_semaphore, #tpu.memory_space<semaphore_mem>>)
    %mul3A_28 = arith.constant 632 : i32
    %mul3A_29 = arith.muli %arg1, %mul3A_28 : i32
    %mul3A_30 = arith.constant 632 : i32
    %mul3A_31 = arith.muli %arg1, %mul3A_30 : i32
    %dma_wait3A = arith.constant 0 : i32
    %dma_wait3A_32 = tpu.memref_slice %arg18[%mul3A_31, %dma_wait3A] : memref<10112x16xf32, #tpu.memory_space<vmem_shared>> -> memref<632x16xf32, #tpu.memory_space<vmem_shared>>
    %dma_wait3A_33 = arith.constant 0 : i32
    %dma_wait3A_34 = tpu.memref_slice %arg2[%mul3A_29, %dma_wait3A_33] : memref<10112x16xf32, #tpu.memory_space<hbm>> -> memref<632x16xf32, #tpu.memory_space<hbm>>
    tpu.wait_dma2 semaphore(%arg35 : memref<!tpu.dma_semaphore, #tpu.memory_space<semaphore_mem>>) src(%dma_wait3A_34 : memref<632x16xf32, #tpu.memory_space<hbm>>) dst(%dma_wait3A_32 : memref<632x16xf32, #tpu.memory_space<vmem_shared>>)
    %mul3A_35 = arith.constant 632 : i32
    %mul3A_36 = arith.muli %arg1, %mul3A_35 : i32
    %mul3A_37 = arith.constant 632 : i32
    %mul3A_38 = arith.muli %arg1, %mul3A_37 : i32
    %dma_wait3A_39 = arith.constant 0 : i32
    %dma_wait3A_40 = tpu.memref_slice %arg17[%mul3A_38, %dma_wait3A_39] : memref<10112x16xf32, #tpu.memory_space<vmem_shared>> -> memref<632x16xf32, #tpu.memory_space<vmem_shared>>
    %dma_wait3A_41 = arith.constant 0 : i32
    %dma_wait3A_42 = tpu.memref_slice %arg5[%mul3A_36, %dma_wait3A_41] : memref<10112x16xf32, #tpu.memory_space<hbm>> -> memref<632x16xf32, #tpu.memory_space<hbm>>
    tpu.wait_dma2 semaphore(%arg36 : memref<!tpu.dma_semaphore, #tpu.memory_space<semaphore_mem>>) src(%dma_wait3A_42 : memref<632x16xf32, #tpu.memory_space<hbm>>) dst(%dma_wait3A_40 : memref<632x16xf32, #tpu.memory_space<vmem_shared>>)
    %mul3A_43 = arith.constant 80 : i32
    %mul3A_44 = arith.muli %add3A, %mul3A_43 : i32
    %dma_wait3A_45 = arith.constant 0 : i32
    %dma_wait3A_46 = tpu.memref_slice %arg3[%mul3A_44, %dma_wait3A_45] : memref<2560x128xi32, #tpu.memory_space<hbm>> -> memref<80x128xi32, #tpu.memory_space<hbm>>
    %dma_wait3A_47 = arith.constant 0 : i32
    %dma_wait3A_48 = tpu.memref_slice %arg3[%mul3A_44, %dma_wait3A_47] : memref<2560x128xi32, #tpu.memory_space<hbm>> -> memref<80x128xi32, #tpu.memory_space<hbm>>
    tpu.wait_dma2 semaphore(%arg37 : memref<!tpu.dma_semaphore, #tpu.memory_space<semaphore_mem>>) src(%dma_wait3A_48 : memref<80x128xi32, #tpu.memory_space<hbm>>) dst(%arg7 : memref<80x128xi32, #tpu.memory_space<vmem>>)
    %mul3A_49 = arith.constant 80 : i32
    %mul3A_50 = arith.muli %add3A, %mul3A_49 : i32
    %dma_wait3A_51 = arith.constant 0 : i32
    %dma_wait3A_52 = tpu.memref_slice %arg4[%mul3A_50, %dma_wait3A_51] : memref<2560x128xi32, #tpu.memory_space<hbm>> -> memref<80x128xi32, #tpu.memory_space<hbm>>
    %dma_wait3A_53 = arith.constant 0 : i32
    %dma_wait3A_54 = tpu.memref_slice %arg4[%mul3A_50, %dma_wait3A_53] : memref<2560x128xi32, #tpu.memory_space<hbm>> -> memref<80x128xi32, #tpu.memory_space<hbm>>
    tpu.wait_dma2 semaphore(%arg38 : memref<!tpu.dma_semaphore, #tpu.memory_space<semaphore_mem>>) src(%dma_wait3A_54 : memref<80x128xi32, #tpu.memory_space<hbm>>) dst(%arg8 : memref<80x128xi32, #tpu.memory_space<vmem>>)
    %barrier3A = arith.constant 0 : index
    tpu.barrier barrier_id(%barrier3A)
    %dma_start3A_55 = arith.constant 0 : i32
    %dma_start3A_56 = arith.constant 0 : i32
    %dma_start3A_57 = tpu.memref_slice %arg7[%dma_start3A_55, %dma_start3A_56] : memref<80x128xi32, #tpu.memory_space<vmem>> -> memref<1x128xi32, #tpu.memory_space<vmem>>
    %dma_start3A_58 = tpu.memref_squeeze %dma_start3A_57 : memref<1x128xi32, #tpu.memory_space<vmem>> -> memref<128xi32, #tpu.memory_space<vmem>>
    %dma_start3A_59 = arith.constant 0 : i32
    %dma_start3A_60 = arith.constant 0 : i32
    %dma_start3A_61 = tpu.memref_slice %arg18[%dma_start3A_59, %dma_start3A_60] : memref<10112x16xf32, #tpu.memory_space<vmem_shared>> -> memref<10112x16xf32, #tpu.memory_space<vmem_shared>>
    tpu.enqueue_indirect_dma source(%dma_start3A_61 : memref<10112x16xf32, #tpu.memory_space<vmem_shared>>) target(%arg9 : memref<128x16xf32, #tpu.memory_space<vmem>>) offsets(%dma_start3A_58 : memref<128xi32, #tpu.memory_space<vmem>>) semaphore(%arg19 : memref<!tpu.dma_semaphore, #tpu.memory_space<semaphore_mem>>)
    %dma_start3A_62 = arith.constant 1 : i32
    %dma_start3A_63 = arith.constant 0 : i32
    %dma_start3A_64 = tpu.memref_slice %arg7[%dma_start3A_62, %dma_start3A_63] : memref<80x128xi32, #tpu.memory_space<vmem>> -> memref<1x128xi32, #tpu.memory_space<vmem>>
    %dma_start3A_65 = tpu.memref_squeeze %dma_start3A_64 : memref<1x128xi32, #tpu.memory_space<vmem>> -> memref<128xi32, #tpu.memory_space<vmem>>
    %dma_start3A_66 = arith.constant 0 : i32
    %dma_start3A_67 = arith.constant 0 : i32
    %dma_start3A_68 = tpu.memref_slice %arg18[%dma_start3A_66, %dma_start3A_67] : memref<10112x16xf32, #tpu.memory_space<vmem_shared>> -> memref<10112x16xf32, #tpu.memory_space<vmem_shared>>
    tpu.enqueue_indirect_dma source(%dma_start3A_68 : memref<10112x16xf32, #tpu.memory_space<vmem_shared>>) target(%arg10 : memref<128x16xf32, #tpu.memory_space<vmem>>) offsets(%dma_start3A_65 : memref<128xi32, #tpu.memory_space<vmem>>) semaphore(%arg20 : memref<!tpu.dma_semaphore, #tpu.memory_space<semaphore_mem>>)
    %dma_start3A_69 = arith.constant 2 : i32
    %dma_start3A_70 = arith.constant 0 : i32
    %dma_start3A_71 = tpu.memref_slice %arg7[%dma_start3A_69, %dma_start3A_70] : memref<80x128xi32, #tpu.memory_space<vmem>> -> memref<1x128xi32, #tpu.memory_space<vmem>>
    %dma_start3A_72 = tpu.memref_squeeze %dma_start3A_71 : memref<1x128xi32, #tpu.memory_space<vmem>> -> memref<128xi32, #tpu.memory_space<vmem>>
    %dma_start3A_73 = arith.constant 0 : i32
    %dma_start3A_74 = arith.constant 0 : i32
    %dma_start3A_75 = tpu.memref_slice %arg18[%dma_start3A_73, %dma_start3A_74] : memref<10112x16xf32, #tpu.memory_space<vmem_shared>> -> memref<10112x16xf32, #tpu.memory_space<vmem_shared>>
    tpu.enqueue_indirect_dma source(%dma_start3A_75 : memref<10112x16xf32, #tpu.memory_space<vmem_shared>>) target(%arg11 : memref<128x16xf32, #tpu.memory_space<vmem>>) offsets(%dma_start3A_72 : memref<128xi32, #tpu.memory_space<vmem>>) semaphore(%arg21 : memref<!tpu.dma_semaphore, #tpu.memory_space<semaphore_mem>>)
    %dma_start3A_76 = arith.constant 3 : i32
    %dma_start3A_77 = arith.constant 0 : i32
    %dma_start3A_78 = tpu.memref_slice %arg7[%dma_start3A_76, %dma_start3A_77] : memref<80x128xi32, #tpu.memory_space<vmem>> -> memref<1x128xi32, #tpu.memory_space<vmem>>
    %dma_start3A_79 = tpu.memref_squeeze %dma_start3A_78 : memref<1x128xi32, #tpu.memory_space<vmem>> -> memref<128xi32, #tpu.memory_space<vmem>>
    %dma_start3A_80 = arith.constant 0 : i32
    %dma_start3A_81 = arith.constant 0 : i32
    %dma_start3A_82 = tpu.memref_slice %arg18[%dma_start3A_80, %dma_start3A_81] : memref<10112x16xf32, #tpu.memory_space<vmem_shared>> -> memref<10112x16xf32, #tpu.memory_space<vmem_shared>>
    tpu.enqueue_indirect_dma source(%dma_start3A_82 : memref<10112x16xf32, #tpu.memory_space<vmem_shared>>) target(%arg12 : memref<128x16xf32, #tpu.memory_space<vmem>>) offsets(%dma_start3A_79 : memref<128xi32, #tpu.memory_space<vmem>>) semaphore(%arg22 : memref<!tpu.dma_semaphore, #tpu.memory_space<semaphore_mem>>)
    %scan3A = arith.constant 0 : i32
    %scan3A_83 = arith.constant 0 : i32
    %scan3A_84 = arith.constant 10 : i32
    %scan3A_85 = arith.addi %scan3A_83, %scan3A_84 : i32
    %scan3A_86 = arith.constant 1 : i32
    scf.for %scan3A_124 = %scan3A_83 to %scan3A_85 step %scan3A_86  : i32 {
      %mul3A_125 = arith.constant 8 : i32
      %mul3A_126 = arith.muli %mul3A_125, %scan3A_124 : i32
      %add3A_127 = arith.constant 0 : i32
      %add3A_128 = arith.addi %mul3A_126, %add3A_127 : i32
      %dma_wait3A_129 = arith.constant 0 : i32
      %dma_wait3A_130 = tpu.memref_slice %arg7[%add3A_128, %dma_wait3A_129] : memref<80x128xi32, #tpu.memory_space<vmem>> -> memref<1x128xi32, #tpu.memory_space<vmem>>
      %dma_wait3A_131 = tpu.memref_squeeze %dma_wait3A_130 : memref<1x128xi32, #tpu.memory_space<vmem>> -> memref<128xi32, #tpu.memory_space<vmem>>
      %dma_wait3A_132 = arith.constant 0 : i32
      %dma_wait3A_133 = arith.constant 0 : i32
      %dma_wait3A_134 = tpu.memref_slice %arg18[%dma_wait3A_132, %dma_wait3A_133] : memref<10112x16xf32, #tpu.memory_space<vmem_shared>> -> memref<10112x16xf32, #tpu.memory_space<vmem_shared>>
      tpu.wait_indirect_dma semaphore(%arg19 : memref<!tpu.dma_semaphore, #tpu.memory_space<semaphore_mem>>) src(%dma_wait3A_134 : memref<10112x16xf32, #tpu.memory_space<vmem_shared>>) dst(%arg9 : memref<128x16xf32, #tpu.memory_space<vmem>>)
      %dma_start3A_135 = arith.constant 0 : i32
      %dma_start3A_136 = tpu.memref_slice %arg8[%add3A_128, %dma_start3A_135] : memref<80x128xi32, #tpu.memory_space<vmem>> -> memref<1x128xi32, #tpu.memory_space<vmem>>
      %dma_start3A_137 = tpu.memref_squeeze %dma_start3A_136 : memref<1x128xi32, #tpu.memory_space<vmem>> -> memref<128xi32, #tpu.memory_space<vmem>>
      %dma_start3A_138 = arith.constant 0 : i32
      %dma_start3A_139 = arith.constant 0 : i32
      %dma_start3A_140 = tpu.memref_slice %arg17[%dma_start3A_138, %dma_start3A_139] : memref<10112x16xf32, #tpu.memory_space<vmem_shared>> -> memref<10112x16xf32, #tpu.memory_space<vmem_shared>>
      tpu.enqueue_indirect_dma source(%arg9 : memref<128x16xf32, #tpu.memory_space<vmem>>) target(%dma_start3A_140 : memref<10112x16xf32, #tpu.memory_space<vmem_shared>>) offsets(%dma_start3A_137 : memref<128xi32, #tpu.memory_space<vmem>>) semaphore(%arg27 : memref<!tpu.dma_semaphore, #tpu.memory_space<semaphore_mem>>) {add = true}
      %sub3A = arith.constant 4 : i32
      %sub3A_141 = arith.subi %add3A_128, %sub3A : i32
      %ge3A = arith.constant 0 : i32
      %ge3A_142 = arith.cmpi sge, %sub3A_141, %ge3A : i32
      %convert_element_type3A = arith.extui %ge3A_142 : i1 to i32
      %cond3A = arith.constant 0 : i32
      %cond3A_143 = arith.cmpi ne, %convert_element_type3A, %cond3A : i32
      scf.if %cond3A_143 {
        %sub3A_346 = arith.constant 4 : i32
        %sub3A_347 = arith.subi %add3A_128, %sub3A_346 : i32
        %dma_wait3A_348 = arith.constant 0 : i32
        %dma_wait3A_349 = tpu.memref_slice %arg8[%sub3A_347, %dma_wait3A_348] : memref<80x128xi32, #tpu.memory_space<vmem>> -> memref<1x128xi32, #tpu.memory_space<vmem>>
        %dma_wait3A_350 = tpu.memref_squeeze %dma_wait3A_349 : memref<1x128xi32, #tpu.memory_space<vmem>> -> memref<128xi32, #tpu.memory_space<vmem>>
        %dma_wait3A_351 = arith.constant 0 : i32
        %dma_wait3A_352 = arith.constant 0 : i32
        %dma_wait3A_353 = tpu.memref_slice %arg17[%dma_wait3A_351, %dma_wait3A_352] : memref<10112x16xf32, #tpu.memory_space<vmem_shared>> -> memref<10112x16xf32, #tpu.memory_space<vmem_shared>>
        tpu.wait_indirect_dma semaphore(%arg31 : memref<!tpu.dma_semaphore, #tpu.memory_space<semaphore_mem>>) src(%arg13 : memref<128x16xf32, #tpu.memory_space<vmem>>) dst(%dma_wait3A_353 : memref<10112x16xf32, #tpu.memory_space<vmem_shared>>)
      } else {
      }
      %add3A_144 = arith.constant 4 : i32
      %add3A_145 = arith.addi %add3A_128, %add3A_144 : i32
      %lt3A = arith.constant 80 : i32
      %lt3A_146 = arith.cmpi slt, %add3A_145, %lt3A : i32
      %convert_element_type3A_147 = arith.extui %lt3A_146 : i1 to i32
      %cond3A_148 = arith.constant 0 : i32
      %cond3A_149 = arith.cmpi ne, %convert_element_type3A_147, %cond3A_148 : i32
      scf.if %cond3A_149 {
        %add3A_346 = arith.constant 4 : i32
        %add3A_347 = arith.addi %add3A_128, %add3A_346 : i32
        %dma_start3A_348 = arith.constant 0 : i32
        %dma_start3A_349 = tpu.memref_slice %arg7[%add3A_347, %dma_start3A_348] : memref<80x128xi32, #tpu.memory_space<vmem>> -> memref<1x128xi32, #tpu.memory_space<vmem>>
        %dma_start3A_350 = tpu.memref_squeeze %dma_start3A_349 : memref<1x128xi32, #tpu.memory_space<vmem>> -> memref<128xi32, #tpu.memory_space<vmem>>
        %dma_start3A_351 = arith.constant 0 : i32
        %dma_start3A_352 = arith.constant 0 : i32
        %dma_start3A_353 = tpu.memref_slice %arg18[%dma_start3A_351, %dma_start3A_352] : memref<10112x16xf32, #tpu.memory_space<vmem_shared>> -> memref<10112x16xf32, #tpu.memory_space<vmem_shared>>
        tpu.enqueue_indirect_dma source(%dma_start3A_353 : memref<10112x16xf32, #tpu.memory_space<vmem_shared>>) target(%arg13 : memref<128x16xf32, #tpu.memory_space<vmem>>) offsets(%dma_start3A_350 : memref<128xi32, #tpu.memory_space<vmem>>) semaphore(%arg23 : memref<!tpu.dma_semaphore, #tpu.memory_space<semaphore_mem>>)
      } else {
      }
      %add3A_150 = arith.constant 1 : i32
      %add3A_151 = arith.addi %mul3A_126, %add3A_150 : i32
      %dma_wait3A_152 = arith.constant 0 : i32
      %dma_wait3A_153 = tpu.memref_slice %arg7[%add3A_151, %dma_wait3A_152] : memref<80x128xi32, #tpu.memory_space<vmem>> -> memref<1x128xi32, #tpu.memory_space<vmem>>
      %dma_wait3A_154 = tpu.memref_squeeze %dma_wait3A_153 : memref<1x128xi32, #tpu.memory_space<vmem>> -> memref<128xi32, #tpu.memory_space<vmem>>
      %dma_wait3A_155 = arith.constant 0 : i32
      %dma_wait3A_156 = arith.constant 0 : i32
      %dma_wait3A_157 = tpu.memref_slice %arg18[%dma_wait3A_155, %dma_wait3A_156] : memref<10112x16xf32, #tpu.memory_space<vmem_shared>> -> memref<10112x16xf32, #tpu.memory_space<vmem_shared>>
      tpu.wait_indirect_dma semaphore(%arg20 : memref<!tpu.dma_semaphore, #tpu.memory_space<semaphore_mem>>) src(%dma_wait3A_157 : memref<10112x16xf32, #tpu.memory_space<vmem_shared>>) dst(%arg10 : memref<128x16xf32, #tpu.memory_space<vmem>>)
      %dma_start3A_158 = arith.constant 0 : i32
      %dma_start3A_159 = tpu.memref_slice %arg8[%add3A_151, %dma_start3A_158] : memref<80x128xi32, #tpu.memory_space<vmem>> -> memref<1x128xi32, #tpu.memory_space<vmem>>
      %dma_start3A_160 = tpu.memref_squeeze %dma_start3A_159 : memref<1x128xi32, #tpu.memory_space<vmem>> -> memref<128xi32, #tpu.memory_space<vmem>>
      %dma_start3A_161 = arith.constant 0 : i32
      %dma_start3A_162 = arith.constant 0 : i32
      %dma_start3A_163 = tpu.memref_slice %arg17[%dma_start3A_161, %dma_start3A_162] : memref<10112x16xf32, #tpu.memory_space<vmem_shared>> -> memref<10112x16xf32, #tpu.memory_space<vmem_shared>>
      tpu.enqueue_indirect_dma source(%arg10 : memref<128x16xf32, #tpu.memory_space<vmem>>) target(%dma_start3A_163 : memref<10112x16xf32, #tpu.memory_space<vmem_shared>>) offsets(%dma_start3A_160 : memref<128xi32, #tpu.memory_space<vmem>>) semaphore(%arg28 : memref<!tpu.dma_semaphore, #tpu.memory_space<semaphore_mem>>) {add = true}
      %sub3A_164 = arith.constant 4 : i32
      %sub3A_165 = arith.subi %add3A_151, %sub3A_164 : i32
      %ge3A_166 = arith.constant 0 : i32
      %ge3A_167 = arith.cmpi sge, %sub3A_165, %ge3A_166 : i32
      %convert_element_type3A_168 = arith.extui %ge3A_167 : i1 to i32
      %cond3A_169 = arith.constant 0 : i32
      %cond3A_170 = arith.cmpi ne, %convert_element_type3A_168, %cond3A_169 : i32
      scf.if %cond3A_170 {
        %sub3A_346 = arith.constant 4 : i32
        %sub3A_347 = arith.subi %add3A_151, %sub3A_346 : i32
        %dma_wait3A_348 = arith.constant 0 : i32
        %dma_wait3A_349 = tpu.memref_slice %arg8[%sub3A_347, %dma_wait3A_348] : memref<80x128xi32, #tpu.memory_space<vmem>> -> memref<1x128xi32, #tpu.memory_space<vmem>>
        %dma_wait3A_350 = tpu.memref_squeeze %dma_wait3A_349 : memref<1x128xi32, #tpu.memory_space<vmem>> -> memref<128xi32, #tpu.memory_space<vmem>>
        %dma_wait3A_351 = arith.constant 0 : i32
        %dma_wait3A_352 = arith.constant 0 : i32
        %dma_wait3A_353 = tpu.memref_slice %arg17[%dma_wait3A_351, %dma_wait3A_352] : memref<10112x16xf32, #tpu.memory_space<vmem_shared>> -> memref<10112x16xf32, #tpu.memory_space<vmem_shared>>
        tpu.wait_indirect_dma semaphore(%arg32 : memref<!tpu.dma_semaphore, #tpu.memory_space<semaphore_mem>>) src(%arg14 : memref<128x16xf32, #tpu.memory_space<vmem>>) dst(%dma_wait3A_353 : memref<10112x16xf32, #tpu.memory_space<vmem_shared>>)
      } else {
      }
      %add3A_171 = arith.constant 4 : i32
      %add3A_172 = arith.addi %add3A_151, %add3A_171 : i32
      %lt3A_173 = arith.constant 80 : i32
      %lt3A_174 = arith.cmpi slt, %add3A_172, %lt3A_173 : i32
      %convert_element_type3A_175 = arith.extui %lt3A_174 : i1 to i32
      %cond3A_176 = arith.constant 0 : i32
      %cond3A_177 = arith.cmpi ne, %convert_element_type3A_175, %cond3A_176 : i32
      scf.if %cond3A_177 {
        %add3A_346 = arith.constant 4 : i32
        %add3A_347 = arith.addi %add3A_151, %add3A_346 : i32
        %dma_start3A_348 = arith.constant 0 : i32
        %dma_start3A_349 = tpu.memref_slice %arg7[%add3A_347, %dma_start3A_348] : memref<80x128xi32, #tpu.memory_space<vmem>> -> memref<1x128xi32, #tpu.memory_space<vmem>>
        %dma_start3A_350 = tpu.memref_squeeze %dma_start3A_349 : memref<1x128xi32, #tpu.memory_space<vmem>> -> memref<128xi32, #tpu.memory_space<vmem>>
        %dma_start3A_351 = arith.constant 0 : i32
        %dma_start3A_352 = arith.constant 0 : i32
        %dma_start3A_353 = tpu.memref_slice %arg18[%dma_start3A_351, %dma_start3A_352] : memref<10112x16xf32, #tpu.memory_space<vmem_shared>> -> memref<10112x16xf32, #tpu.memory_space<vmem_shared>>
        tpu.enqueue_indirect_dma source(%dma_start3A_353 : memref<10112x16xf32, #tpu.memory_space<vmem_shared>>) target(%arg14 : memref<128x16xf32, #tpu.memory_space<vmem>>) offsets(%dma_start3A_350 : memref<128xi32, #tpu.memory_space<vmem>>) semaphore(%arg24 : memref<!tpu.dma_semaphore, #tpu.memory_space<semaphore_mem>>)
      } else {
      }
      %add3A_178 = arith.constant 2 : i32
      %add3A_179 = arith.addi %mul3A_126, %add3A_178 : i32
      %dma_wait3A_180 = arith.constant 0 : i32
      %dma_wait3A_181 = tpu.memref_slice %arg7[%add3A_179, %dma_wait3A_180] : memref<80x128xi32, #tpu.memory_space<vmem>> -> memref<1x128xi32, #tpu.memory_space<vmem>>
      %dma_wait3A_182 = tpu.memref_squeeze %dma_wait3A_181 : memref<1x128xi32, #tpu.memory_space<vmem>> -> memref<128xi32, #tpu.memory_space<vmem>>
      %dma_wait3A_183 = arith.constant 0 : i32
      %dma_wait3A_184 = arith.constant 0 : i32
      %dma_wait3A_185 = tpu.memref_slice %arg18[%dma_wait3A_183, %dma_wait3A_184] : memref<10112x16xf32, #tpu.memory_space<vmem_shared>> -> memref<10112x16xf32, #tpu.memory_space<vmem_shared>>
      tpu.wait_indirect_dma semaphore(%arg21 : memref<!tpu.dma_semaphore, #tpu.memory_space<semaphore_mem>>) src(%dma_wait3A_185 : memref<10112x16xf32, #tpu.memory_space<vmem_shared>>) dst(%arg11 : memref<128x16xf32, #tpu.memory_space<vmem>>)
      %dma_start3A_186 = arith.constant 0 : i32
      %dma_start3A_187 = tpu.memref_slice %arg8[%add3A_179, %dma_start3A_186] : memref<80x128xi32, #tpu.memory_space<vmem>> -> memref<1x128xi32, #tpu.memory_space<vmem>>
      %dma_start3A_188 = tpu.memref_squeeze %dma_start3A_187 : memref<1x128xi32, #tpu.memory_space<vmem>> -> memref<128xi32, #tpu.memory_space<vmem>>
      %dma_start3A_189 = arith.constant 0 : i32
      %dma_start3A_190 = arith.constant 0 : i32
      %dma_start3A_191 = tpu.memref_slice %arg17[%dma_start3A_189, %dma_start3A_190] : memref<10112x16xf32, #tpu.memory_space<vmem_shared>> -> memref<10112x16xf32, #tpu.memory_space<vmem_shared>>
      tpu.enqueue_indirect_dma source(%arg11 : memref<128x16xf32, #tpu.memory_space<vmem>>) target(%dma_start3A_191 : memref<10112x16xf32, #tpu.memory_space<vmem_shared>>) offsets(%dma_start3A_188 : memref<128xi32, #tpu.memory_space<vmem>>) semaphore(%arg29 : memref<!tpu.dma_semaphore, #tpu.memory_space<semaphore_mem>>) {add = true}
      %sub3A_192 = arith.constant 4 : i32
      %sub3A_193 = arith.subi %add3A_179, %sub3A_192 : i32
      %ge3A_194 = arith.constant 0 : i32
      %ge3A_195 = arith.cmpi sge, %sub3A_193, %ge3A_194 : i32
      %convert_element_type3A_196 = arith.extui %ge3A_195 : i1 to i32
      %cond3A_197 = arith.constant 0 : i32
      %cond3A_198 = arith.cmpi ne, %convert_element_type3A_196, %cond3A_197 : i32
      scf.if %cond3A_198 {
        %sub3A_346 = arith.constant 4 : i32
        %sub3A_347 = arith.subi %add3A_179, %sub3A_346 : i32
        %dma_wait3A_348 = arith.constant 0 : i32
        %dma_wait3A_349 = tpu.memref_slice %arg8[%sub3A_347, %dma_wait3A_348] : memref<80x128xi32, #tpu.memory_space<vmem>> -> memref<1x128xi32, #tpu.memory_space<vmem>>
        %dma_wait3A_350 = tpu.memref_squeeze %dma_wait3A_349 : memref<1x128xi32, #tpu.memory_space<vmem>> -> memref<128xi32, #tpu.memory_space<vmem>>
        %dma_wait3A_351 = arith.constant 0 : i32
        %dma_wait3A_352 = arith.constant 0 : i32
        %dma_wait3A_353 = tpu.memref_slice %arg17[%dma_wait3A_351, %dma_wait3A_352] : memref<10112x16xf32, #tpu.memory_space<vmem_shared>> -> memref<10112x16xf32, #tpu.memory_space<vmem_shared>>
        tpu.wait_indirect_dma semaphore(%arg33 : memref<!tpu.dma_semaphore, #tpu.memory_space<semaphore_mem>>) src(%arg15 : memref<128x16xf32, #tpu.memory_space<vmem>>) dst(%dma_wait3A_353 : memref<10112x16xf32, #tpu.memory_space<vmem_shared>>)
      } else {
      }
      %add3A_199 = arith.constant 4 : i32
      %add3A_200 = arith.addi %add3A_179, %add3A_199 : i32
      %lt3A_201 = arith.constant 80 : i32
      %lt3A_202 = arith.cmpi slt, %add3A_200, %lt3A_201 : i32
      %convert_element_type3A_203 = arith.extui %lt3A_202 : i1 to i32
      %cond3A_204 = arith.constant 0 : i32
      %cond3A_205 = arith.cmpi ne, %convert_element_type3A_203, %cond3A_204 : i32
      scf.if %cond3A_205 {
        %add3A_346 = arith.constant 4 : i32
        %add3A_347 = arith.addi %add3A_179, %add3A_346 : i32
        %dma_start3A_348 = arith.constant 0 : i32
        %dma_start3A_349 = tpu.memref_slice %arg7[%add3A_347, %dma_start3A_348] : memref<80x128xi32, #tpu.memory_space<vmem>> -> memref<1x128xi32, #tpu.memory_space<vmem>>
        %dma_start3A_350 = tpu.memref_squeeze %dma_start3A_349 : memref<1x128xi32, #tpu.memory_space<vmem>> -> memref<128xi32, #tpu.memory_space<vmem>>
        %dma_start3A_351 = arith.constant 0 : i32
        %dma_start3A_352 = arith.constant 0 : i32
        %dma_start3A_353 = tpu.memref_slice %arg18[%dma_start3A_351, %dma_start3A_352] : memref<10112x16xf32, #tpu.memory_space<vmem_shared>> -> memref<10112x16xf32, #tpu.memory_space<vmem_shared>>
        tpu.enqueue_indirect_dma source(%dma_start3A_353 : memref<10112x16xf32, #tpu.memory_space<vmem_shared>>) target(%arg15 : memref<128x16xf32, #tpu.memory_space<vmem>>) offsets(%dma_start3A_350 : memref<128xi32, #tpu.memory_space<vmem>>) semaphore(%arg25 : memref<!tpu.dma_semaphore, #tpu.memory_space<semaphore_mem>>)
      } else {
      }
      %add3A_206 = arith.constant 3 : i32
      %add3A_207 = arith.addi %mul3A_126, %add3A_206 : i32
      %dma_wait3A_208 = arith.constant 0 : i32
      %dma_wait3A_209 = tpu.memref_slice %arg7[%add3A_207, %dma_wait3A_208] : memref<80x128xi32, #tpu.memory_space<vmem>> -> memref<1x128xi32, #tpu.memory_space<vmem>>
      %dma_wait3A_210 = tpu.memref_squeeze %dma_wait3A_209 : memref<1x128xi32, #tpu.memory_space<vmem>> -> memref<128xi32, #tpu.memory_space<vmem>>
      %dma_wait3A_211 = arith.constant 0 : i32
      %dma_wait3A_212 = arith.constant 0 : i32
      %dma_wait3A_213 = tpu.memref_slice %arg18[%dma_wait3A_211, %dma_wait3A_212] : memref<10112x16xf32, #tpu.memory_space<vmem_shared>> -> memref<10112x16xf32, #tpu.memory_space<vmem_shared>>
      tpu.wait_indirect_dma semaphore(%arg22 : memref<!tpu.dma_semaphore, #tpu.memory_space<semaphore_mem>>) src(%dma_wait3A_213 : memref<10112x16xf32, #tpu.memory_space<vmem_shared>>) dst(%arg12 : memref<128x16xf32, #tpu.memory_space<vmem>>)
      %dma_start3A_214 = arith.constant 0 : i32
      %dma_start3A_215 = tpu.memref_slice %arg8[%add3A_207, %dma_start3A_214] : memref<80x128xi32, #tpu.memory_space<vmem>> -> memref<1x128xi32, #tpu.memory_space<vmem>>
      %dma_start3A_216 = tpu.memref_squeeze %dma_start3A_215 : memref<1x128xi32, #tpu.memory_space<vmem>> -> memref<128xi32, #tpu.memory_space<vmem>>
      %dma_start3A_217 = arith.constant 0 : i32
      %dma_start3A_218 = arith.constant 0 : i32
      %dma_start3A_219 = tpu.memref_slice %arg17[%dma_start3A_217, %dma_start3A_218] : memref<10112x16xf32, #tpu.memory_space<vmem_shared>> -> memref<10112x16xf32, #tpu.memory_space<vmem_shared>>
      tpu.enqueue_indirect_dma source(%arg12 : memref<128x16xf32, #tpu.memory_space<vmem>>) target(%dma_start3A_219 : memref<10112x16xf32, #tpu.memory_space<vmem_shared>>) offsets(%dma_start3A_216 : memref<128xi32, #tpu.memory_space<vmem>>) semaphore(%arg30 : memref<!tpu.dma_semaphore, #tpu.memory_space<semaphore_mem>>) {add = true}
      %sub3A_220 = arith.constant 4 : i32
      %sub3A_221 = arith.subi %add3A_207, %sub3A_220 : i32
      %ge3A_222 = arith.constant 0 : i32
      %ge3A_223 = arith.cmpi sge, %sub3A_221, %ge3A_222 : i32
      %convert_element_type3A_224 = arith.extui %ge3A_223 : i1 to i32
      %cond3A_225 = arith.constant 0 : i32
      %cond3A_226 = arith.cmpi ne, %convert_element_type3A_224, %cond3A_225 : i32
      scf.if %cond3A_226 {
        %sub3A_346 = arith.constant 4 : i32
        %sub3A_347 = arith.subi %add3A_207, %sub3A_346 : i32
        %dma_wait3A_348 = arith.constant 0 : i32
        %dma_wait3A_349 = tpu.memref_slice %arg8[%sub3A_347, %dma_wait3A_348] : memref<80x128xi32, #tpu.memory_space<vmem>> -> memref<1x128xi32, #tpu.memory_space<vmem>>
        %dma_wait3A_350 = tpu.memref_squeeze %dma_wait3A_349 : memref<1x128xi32, #tpu.memory_space<vmem>> -> memref<128xi32, #tpu.memory_space<vmem>>
        %dma_wait3A_351 = arith.constant 0 : i32
        %dma_wait3A_352 = arith.constant 0 : i32
        %dma_wait3A_353 = tpu.memref_slice %arg17[%dma_wait3A_351, %dma_wait3A_352] : memref<10112x16xf32, #tpu.memory_space<vmem_shared>> -> memref<10112x16xf32, #tpu.memory_space<vmem_shared>>
        tpu.wait_indirect_dma semaphore(%arg34 : memref<!tpu.dma_semaphore, #tpu.memory_space<semaphore_mem>>) src(%arg16 : memref<128x16xf32, #tpu.memory_space<vmem>>) dst(%dma_wait3A_353 : memref<10112x16xf32, #tpu.memory_space<vmem_shared>>)
      } else {
      }
      %add3A_227 = arith.constant 4 : i32
      %add3A_228 = arith.addi %add3A_207, %add3A_227 : i32
      %lt3A_229 = arith.constant 80 : i32
      %lt3A_230 = arith.cmpi slt, %add3A_228, %lt3A_229 : i32
      %convert_element_type3A_231 = arith.extui %lt3A_230 : i1 to i32
      %cond3A_232 = arith.constant 0 : i32
      %cond3A_233 = arith.cmpi ne, %convert_element_type3A_231, %cond3A_232 : i32
      scf.if %cond3A_233 {
        %add3A_346 = arith.constant 4 : i32
        %add3A_347 = arith.addi %add3A_207, %add3A_346 : i32
        %dma_start3A_348 = arith.constant 0 : i32
        %dma_start3A_349 = tpu.memref_slice %arg7[%add3A_347, %dma_start3A_348] : memref<80x128xi32, #tpu.memory_space<vmem>> -> memref<1x128xi32, #tpu.memory_space<vmem>>
        %dma_start3A_350 = tpu.memref_squeeze %dma_start3A_349 : memref<1x128xi32, #tpu.memory_space<vmem>> -> memref<128xi32, #tpu.memory_space<vmem>>
        %dma_start3A_351 = arith.constant 0 : i32
        %dma_start3A_352 = arith.constant 0 : i32
        %dma_start3A_353 = tpu.memref_slice %arg18[%dma_start3A_351, %dma_start3A_352] : memref<10112x16xf32, #tpu.memory_space<vmem_shared>> -> memref<10112x16xf32, #tpu.memory_space<vmem_shared>>
        tpu.enqueue_indirect_dma source(%dma_start3A_353 : memref<10112x16xf32, #tpu.memory_space<vmem_shared>>) target(%arg16 : memref<128x16xf32, #tpu.memory_space<vmem>>) offsets(%dma_start3A_350 : memref<128xi32, #tpu.memory_space<vmem>>) semaphore(%arg26 : memref<!tpu.dma_semaphore, #tpu.memory_space<semaphore_mem>>)
      } else {
      }
      %add3A_234 = arith.constant 4 : i32
      %add3A_235 = arith.addi %mul3A_126, %add3A_234 : i32
      %dma_wait3A_236 = arith.constant 0 : i32
      %dma_wait3A_237 = tpu.memref_slice %arg7[%add3A_235, %dma_wait3A_236] : memref<80x128xi32, #tpu.memory_space<vmem>> -> memref<1x128xi32, #tpu.memory_space<vmem>>
      %dma_wait3A_238 = tpu.memref_squeeze %dma_wait3A_237 : memref<1x128xi32, #tpu.memory_space<vmem>> -> memref<128xi32, #tpu.memory_space<vmem>>
      %dma_wait3A_239 = arith.constant 0 : i32
      %dma_wait3A_240 = arith.constant 0 : i32
      %dma_wait3A_241 = tpu.memref_slice %arg18[%dma_wait3A_239, %dma_wait3A_240] : memref<10112x16xf32, #tpu.memory_space<vmem_shared>> -> memref<10112x16xf32, #tpu.memory_space<vmem_shared>>
      tpu.wait_indirect_dma semaphore(%arg23 : memref<!tpu.dma_semaphore, #tpu.memory_space<semaphore_mem>>) src(%dma_wait3A_241 : memref<10112x16xf32, #tpu.memory_space<vmem_shared>>) dst(%arg13 : memref<128x16xf32, #tpu.memory_space<vmem>>)
      %dma_start3A_242 = arith.constant 0 : i32
      %dma_start3A_243 = tpu.memref_slice %arg8[%add3A_235, %dma_start3A_242] : memref<80x128xi32, #tpu.memory_space<vmem>> -> memref<1x128xi32, #tpu.memory_space<vmem>>
      %dma_start3A_244 = tpu.memref_squeeze %dma_start3A_243 : memref<1x128xi32, #tpu.memory_space<vmem>> -> memref<128xi32, #tpu.memory_space<vmem>>
      %dma_start3A_245 = arith.constant 0 : i32
      %dma_start3A_246 = arith.constant 0 : i32
      %dma_start3A_247 = tpu.memref_slice %arg17[%dma_start3A_245, %dma_start3A_246] : memref<10112x16xf32, #tpu.memory_space<vmem_shared>> -> memref<10112x16xf32, #tpu.memory_space<vmem_shared>>
      tpu.enqueue_indirect_dma source(%arg13 : memref<128x16xf32, #tpu.memory_space<vmem>>) target(%dma_start3A_247 : memref<10112x16xf32, #tpu.memory_space<vmem_shared>>) offsets(%dma_start3A_244 : memref<128xi32, #tpu.memory_space<vmem>>) semaphore(%arg31 : memref<!tpu.dma_semaphore, #tpu.memory_space<semaphore_mem>>) {add = true}
      %sub3A_248 = arith.constant 4 : i32
      %sub3A_249 = arith.subi %add3A_235, %sub3A_248 : i32
      %ge3A_250 = arith.constant 0 : i32
      %ge3A_251 = arith.cmpi sge, %sub3A_249, %ge3A_250 : i32
      %convert_element_type3A_252 = arith.extui %ge3A_251 : i1 to i32
      %cond3A_253 = arith.constant 0 : i32
      %cond3A_254 = arith.cmpi ne, %convert_element_type3A_252, %cond3A_253 : i32
      scf.if %cond3A_254 {
        %sub3A_346 = arith.constant 4 : i32
        %sub3A_347 = arith.subi %add3A_235, %sub3A_346 : i32
        %dma_wait3A_348 = arith.constant 0 : i32
        %dma_wait3A_349 = tpu.memref_slice %arg8[%sub3A_347, %dma_wait3A_348] : memref<80x128xi32, #tpu.memory_space<vmem>> -> memref<1x128xi32, #tpu.memory_space<vmem>>
        %dma_wait3A_350 = tpu.memref_squeeze %dma_wait3A_349 : memref<1x128xi32, #tpu.memory_space<vmem>> -> memref<128xi32, #tpu.memory_space<vmem>>
        %dma_wait3A_351 = arith.constant 0 : i32
        %dma_wait3A_352 = arith.constant 0 : i32
        %dma_wait3A_353 = tpu.memref_slice %arg17[%dma_wait3A_351, %dma_wait3A_352] : memref<10112x16xf32, #tpu.memory_space<vmem_shared>> -> memref<10112x16xf32, #tpu.memory_space<vmem_shared>>
        tpu.wait_indirect_dma semaphore(%arg27 : memref<!tpu.dma_semaphore, #tpu.memory_space<semaphore_mem>>) src(%arg9 : memref<128x16xf32, #tpu.memory_space<vmem>>) dst(%dma_wait3A_353 : memref<10112x16xf32, #tpu.memory_space<vmem_shared>>)
      } else {
      }
      %add3A_255 = arith.constant 4 : i32
      %add3A_256 = arith.addi %add3A_235, %add3A_255 : i32
      %lt3A_257 = arith.constant 80 : i32
      %lt3A_258 = arith.cmpi slt, %add3A_256, %lt3A_257 : i32
      %convert_element_type3A_259 = arith.extui %lt3A_258 : i1 to i32
      %cond3A_260 = arith.constant 0 : i32
      %cond3A_261 = arith.cmpi ne, %convert_element_type3A_259, %cond3A_260 : i32
      scf.if %cond3A_261 {
        %add3A_346 = arith.constant 4 : i32
        %add3A_347 = arith.addi %add3A_235, %add3A_346 : i32
        %dma_start3A_348 = arith.constant 0 : i32
        %dma_start3A_349 = tpu.memref_slice %arg7[%add3A_347, %dma_start3A_348] : memref<80x128xi32, #tpu.memory_space<vmem>> -> memref<1x128xi32, #tpu.memory_space<vmem>>
        %dma_start3A_350 = tpu.memref_squeeze %dma_start3A_349 : memref<1x128xi32, #tpu.memory_space<vmem>> -> memref<128xi32, #tpu.memory_space<vmem>>
        %dma_start3A_351 = arith.constant 0 : i32
        %dma_start3A_352 = arith.constant 0 : i32
        %dma_start3A_353 = tpu.memref_slice %arg18[%dma_start3A_351, %dma_start3A_352] : memref<10112x16xf32, #tpu.memory_space<vmem_shared>> -> memref<10112x16xf32, #tpu.memory_space<vmem_shared>>
        tpu.enqueue_indirect_dma source(%dma_start3A_353 : memref<10112x16xf32, #tpu.memory_space<vmem_shared>>) target(%arg9 : memref<128x16xf32, #tpu.memory_space<vmem>>) offsets(%dma_start3A_350 : memref<128xi32, #tpu.memory_space<vmem>>) semaphore(%arg19 : memref<!tpu.dma_semaphore, #tpu.memory_space<semaphore_mem>>)
      } else {
      }
      %add3A_262 = arith.constant 5 : i32
      %add3A_263 = arith.addi %mul3A_126, %add3A_262 : i32
      %dma_wait3A_264 = arith.constant 0 : i32
      %dma_wait3A_265 = tpu.memref_slice %arg7[%add3A_263, %dma_wait3A_264] : memref<80x128xi32, #tpu.memory_space<vmem>> -> memref<1x128xi32, #tpu.memory_space<vmem>>
      %dma_wait3A_266 = tpu.memref_squeeze %dma_wait3A_265 : memref<1x128xi32, #tpu.memory_space<vmem>> -> memref<128xi32, #tpu.memory_space<vmem>>
      %dma_wait3A_267 = arith.constant 0 : i32
      %dma_wait3A_268 = arith.constant 0 : i32
      %dma_wait3A_269 = tpu.memref_slice %arg18[%dma_wait3A_267, %dma_wait3A_268] : memref<10112x16xf32, #tpu.memory_space<vmem_shared>> -> memref<10112x16xf32, #tpu.memory_space<vmem_shared>>
      tpu.wait_indirect_dma semaphore(%arg24 : memref<!tpu.dma_semaphore, #tpu.memory_space<semaphore_mem>>) src(%dma_wait3A_269 : memref<10112x16xf32, #tpu.memory_space<vmem_shared>>) dst(%arg14 : memref<128x16xf32, #tpu.memory_space<vmem>>)
      %dma_start3A_270 = arith.constant 0 : i32
      %dma_start3A_271 = tpu.memref_slice %arg8[%add3A_263, %dma_start3A_270] : memref<80x128xi32, #tpu.memory_space<vmem>> -> memref<1x128xi32, #tpu.memory_space<vmem>>
      %dma_start3A_272 = tpu.memref_squeeze %dma_start3A_271 : memref<1x128xi32, #tpu.memory_space<vmem>> -> memref<128xi32, #tpu.memory_space<vmem>>
      %dma_start3A_273 = arith.constant 0 : i32
      %dma_start3A_274 = arith.constant 0 : i32
      %dma_start3A_275 = tpu.memref_slice %arg17[%dma_start3A_273, %dma_start3A_274] : memref<10112x16xf32, #tpu.memory_space<vmem_shared>> -> memref<10112x16xf32, #tpu.memory_space<vmem_shared>>
      tpu.enqueue_indirect_dma source(%arg14 : memref<128x16xf32, #tpu.memory_space<vmem>>) target(%dma_start3A_275 : memref<10112x16xf32, #tpu.memory_space<vmem_shared>>) offsets(%dma_start3A_272 : memref<128xi32, #tpu.memory_space<vmem>>) semaphore(%arg32 : memref<!tpu.dma_semaphore, #tpu.memory_space<semaphore_mem>>) {add = true}
      %sub3A_276 = arith.constant 4 : i32
      %sub3A_277 = arith.subi %add3A_263, %sub3A_276 : i32
      %ge3A_278 = arith.constant 0 : i32
      %ge3A_279 = arith.cmpi sge, %sub3A_277, %ge3A_278 : i32
      %convert_element_type3A_280 = arith.extui %ge3A_279 : i1 to i32
      %cond3A_281 = arith.constant 0 : i32
      %cond3A_282 = arith.cmpi ne, %convert_element_type3A_280, %cond3A_281 : i32
      scf.if %cond3A_282 {
        %sub3A_346 = arith.constant 4 : i32
        %sub3A_347 = arith.subi %add3A_263, %sub3A_346 : i32
        %dma_wait3A_348 = arith.constant 0 : i32
        %dma_wait3A_349 = tpu.memref_slice %arg8[%sub3A_347, %dma_wait3A_348] : memref<80x128xi32, #tpu.memory_space<vmem>> -> memref<1x128xi32, #tpu.memory_space<vmem>>
        %dma_wait3A_350 = tpu.memref_squeeze %dma_wait3A_349 : memref<1x128xi32, #tpu.memory_space<vmem>> -> memref<128xi32, #tpu.memory_space<vmem>>
        %dma_wait3A_351 = arith.constant 0 : i32
        %dma_wait3A_352 = arith.constant 0 : i32
        %dma_wait3A_353 = tpu.memref_slice %arg17[%dma_wait3A_351, %dma_wait3A_352] : memref<10112x16xf32, #tpu.memory_space<vmem_shared>> -> memref<10112x16xf32, #tpu.memory_space<vmem_shared>>
        tpu.wait_indirect_dma semaphore(%arg28 : memref<!tpu.dma_semaphore, #tpu.memory_space<semaphore_mem>>) src(%arg10 : memref<128x16xf32, #tpu.memory_space<vmem>>) dst(%dma_wait3A_353 : memref<10112x16xf32, #tpu.memory_space<vmem_shared>>)
      } else {
      }
      %add3A_283 = arith.constant 4 : i32
      %add3A_284 = arith.addi %add3A_263, %add3A_283 : i32
      %lt3A_285 = arith.constant 80 : i32
      %lt3A_286 = arith.cmpi slt, %add3A_284, %lt3A_285 : i32
      %convert_element_type3A_287 = arith.extui %lt3A_286 : i1 to i32
      %cond3A_288 = arith.constant 0 : i32
      %cond3A_289 = arith.cmpi ne, %convert_element_type3A_287, %cond3A_288 : i32
      scf.if %cond3A_289 {
        %add3A_346 = arith.constant 4 : i32
        %add3A_347 = arith.addi %add3A_263, %add3A_346 : i32
        %dma_start3A_348 = arith.constant 0 : i32
        %dma_start3A_349 = tpu.memref_slice %arg7[%add3A_347, %dma_start3A_348] : memref<80x128xi32, #tpu.memory_space<vmem>> -> memref<1x128xi32, #tpu.memory_space<vmem>>
        %dma_start3A_350 = tpu.memref_squeeze %dma_start3A_349 : memref<1x128xi32, #tpu.memory_space<vmem>> -> memref<128xi32, #tpu.memory_space<vmem>>
        %dma_start3A_351 = arith.constant 0 : i32
        %dma_start3A_352 = arith.constant 0 : i32
        %dma_start3A_353 = tpu.memref_slice %arg18[%dma_start3A_351, %dma_start3A_352] : memref<10112x16xf32, #tpu.memory_space<vmem_shared>> -> memref<10112x16xf32, #tpu.memory_space<vmem_shared>>
        tpu.enqueue_indirect_dma source(%dma_start3A_353 : memref<10112x16xf32, #tpu.memory_space<vmem_shared>>) target(%arg10 : memref<128x16xf32, #tpu.memory_space<vmem>>) offsets(%dma_start3A_350 : memref<128xi32, #tpu.memory_space<vmem>>) semaphore(%arg20 : memref<!tpu.dma_semaphore, #tpu.memory_space<semaphore_mem>>)
      } else {
      }
      %add3A_290 = arith.constant 6 : i32
      %add3A_291 = arith.addi %mul3A_126, %add3A_290 : i32
      %dma_wait3A_292 = arith.constant 0 : i32
      %dma_wait3A_293 = tpu.memref_slice %arg7[%add3A_291, %dma_wait3A_292] : memref<80x128xi32, #tpu.memory_space<vmem>> -> memref<1x128xi32, #tpu.memory_space<vmem>>
      %dma_wait3A_294 = tpu.memref_squeeze %dma_wait3A_293 : memref<1x128xi32, #tpu.memory_space<vmem>> -> memref<128xi32, #tpu.memory_space<vmem>>
      %dma_wait3A_295 = arith.constant 0 : i32
      %dma_wait3A_296 = arith.constant 0 : i32
      %dma_wait3A_297 = tpu.memref_slice %arg18[%dma_wait3A_295, %dma_wait3A_296] : memref<10112x16xf32, #tpu.memory_space<vmem_shared>> -> memref<10112x16xf32, #tpu.memory_space<vmem_shared>>
      tpu.wait_indirect_dma semaphore(%arg25 : memref<!tpu.dma_semaphore, #tpu.memory_space<semaphore_mem>>) src(%dma_wait3A_297 : memref<10112x16xf32, #tpu.memory_space<vmem_shared>>) dst(%arg15 : memref<128x16xf32, #tpu.memory_space<vmem>>)
      %dma_start3A_298 = arith.constant 0 : i32
      %dma_start3A_299 = tpu.memref_slice %arg8[%add3A_291, %dma_start3A_298] : memref<80x128xi32, #tpu.memory_space<vmem>> -> memref<1x128xi32, #tpu.memory_space<vmem>>
      %dma_start3A_300 = tpu.memref_squeeze %dma_start3A_299 : memref<1x128xi32, #tpu.memory_space<vmem>> -> memref<128xi32, #tpu.memory_space<vmem>>
      %dma_start3A_301 = arith.constant 0 : i32
      %dma_start3A_302 = arith.constant 0 : i32
      %dma_start3A_303 = tpu.memref_slice %arg17[%dma_start3A_301, %dma_start3A_302] : memref<10112x16xf32, #tpu.memory_space<vmem_shared>> -> memref<10112x16xf32, #tpu.memory_space<vmem_shared>>
      tpu.enqueue_indirect_dma source(%arg15 : memref<128x16xf32, #tpu.memory_space<vmem>>) target(%dma_start3A_303 : memref<10112x16xf32, #tpu.memory_space<vmem_shared>>) offsets(%dma_start3A_300 : memref<128xi32, #tpu.memory_space<vmem>>) semaphore(%arg33 : memref<!tpu.dma_semaphore, #tpu.memory_space<semaphore_mem>>) {add = true}
      %sub3A_304 = arith.constant 4 : i32
      %sub3A_305 = arith.subi %add3A_291, %sub3A_304 : i32
      %ge3A_306 = arith.constant 0 : i32
      %ge3A_307 = arith.cmpi sge, %sub3A_305, %ge3A_306 : i32
      %convert_element_type3A_308 = arith.extui %ge3A_307 : i1 to i32
      %cond3A_309 = arith.constant 0 : i32
      %cond3A_310 = arith.cmpi ne, %convert_element_type3A_308, %cond3A_309 : i32
      scf.if %cond3A_310 {
        %sub3A_346 = arith.constant 4 : i32
        %sub3A_347 = arith.subi %add3A_291, %sub3A_346 : i32
        %dma_wait3A_348 = arith.constant 0 : i32
        %dma_wait3A_349 = tpu.memref_slice %arg8[%sub3A_347, %dma_wait3A_348] : memref<80x128xi32, #tpu.memory_space<vmem>> -> memref<1x128xi32, #tpu.memory_space<vmem>>
        %dma_wait3A_350 = tpu.memref_squeeze %dma_wait3A_349 : memref<1x128xi32, #tpu.memory_space<vmem>> -> memref<128xi32, #tpu.memory_space<vmem>>
        %dma_wait3A_351 = arith.constant 0 : i32
        %dma_wait3A_352 = arith.constant 0 : i32
        %dma_wait3A_353 = tpu.memref_slice %arg17[%dma_wait3A_351, %dma_wait3A_352] : memref<10112x16xf32, #tpu.memory_space<vmem_shared>> -> memref<10112x16xf32, #tpu.memory_space<vmem_shared>>
        tpu.wait_indirect_dma semaphore(%arg29 : memref<!tpu.dma_semaphore, #tpu.memory_space<semaphore_mem>>) src(%arg11 : memref<128x16xf32, #tpu.memory_space<vmem>>) dst(%dma_wait3A_353 : memref<10112x16xf32, #tpu.memory_space<vmem_shared>>)
      } else {
      }
      %add3A_311 = arith.constant 4 : i32
      %add3A_312 = arith.addi %add3A_291, %add3A_311 : i32
      %lt3A_313 = arith.constant 80 : i32
      %lt3A_314 = arith.cmpi slt, %add3A_312, %lt3A_313 : i32
      %convert_element_type3A_315 = arith.extui %lt3A_314 : i1 to i32
      %cond3A_316 = arith.constant 0 : i32
      %cond3A_317 = arith.cmpi ne, %convert_element_type3A_315, %cond3A_316 : i32
      scf.if %cond3A_317 {
        %add3A_346 = arith.constant 4 : i32
        %add3A_347 = arith.addi %add3A_291, %add3A_346 : i32
        %dma_start3A_348 = arith.constant 0 : i32
        %dma_start3A_349 = tpu.memref_slice %arg7[%add3A_347, %dma_start3A_348] : memref<80x128xi32, #tpu.memory_space<vmem>> -> memref<1x128xi32, #tpu.memory_space<vmem>>
        %dma_start3A_350 = tpu.memref_squeeze %dma_start3A_349 : memref<1x128xi32, #tpu.memory_space<vmem>> -> memref<128xi32, #tpu.memory_space<vmem>>
        %dma_start3A_351 = arith.constant 0 : i32
        %dma_start3A_352 = arith.constant 0 : i32
        %dma_start3A_353 = tpu.memref_slice %arg18[%dma_start3A_351, %dma_start3A_352] : memref<10112x16xf32, #tpu.memory_space<vmem_shared>> -> memref<10112x16xf32, #tpu.memory_space<vmem_shared>>
        tpu.enqueue_indirect_dma source(%dma_start3A_353 : memref<10112x16xf32, #tpu.memory_space<vmem_shared>>) target(%arg11 : memref<128x16xf32, #tpu.memory_space<vmem>>) offsets(%dma_start3A_350 : memref<128xi32, #tpu.memory_space<vmem>>) semaphore(%arg21 : memref<!tpu.dma_semaphore, #tpu.memory_space<semaphore_mem>>)
      } else {
      }
      %add3A_318 = arith.constant 7 : i32
      %add3A_319 = arith.addi %mul3A_126, %add3A_318 : i32
      %dma_wait3A_320 = arith.constant 0 : i32
      %dma_wait3A_321 = tpu.memref_slice %arg7[%add3A_319, %dma_wait3A_320] : memref<80x128xi32, #tpu.memory_space<vmem>> -> memref<1x128xi32, #tpu.memory_space<vmem>>
      %dma_wait3A_322 = tpu.memref_squeeze %dma_wait3A_321 : memref<1x128xi32, #tpu.memory_space<vmem>> -> memref<128xi32, #tpu.memory_space<vmem>>
      %dma_wait3A_323 = arith.constant 0 : i32
      %dma_wait3A_324 = arith.constant 0 : i32
      %dma_wait3A_325 = tpu.memref_slice %arg18[%dma_wait3A_323, %dma_wait3A_324] : memref<10112x16xf32, #tpu.memory_space<vmem_shared>> -> memref<10112x16xf32, #tpu.memory_space<vmem_shared>>
      tpu.wait_indirect_dma semaphore(%arg26 : memref<!tpu.dma_semaphore, #tpu.memory_space<semaphore_mem>>) src(%dma_wait3A_325 : memref<10112x16xf32, #tpu.memory_space<vmem_shared>>) dst(%arg16 : memref<128x16xf32, #tpu.memory_space<vmem>>)
      %dma_start3A_326 = arith.constant 0 : i32
      %dma_start3A_327 = tpu.memref_slice %arg8[%add3A_319, %dma_start3A_326] : memref<80x128xi32, #tpu.memory_space<vmem>> -> memref<1x128xi32, #tpu.memory_space<vmem>>
      %dma_start3A_328 = tpu.memref_squeeze %dma_start3A_327 : memref<1x128xi32, #tpu.memory_space<vmem>> -> memref<128xi32, #tpu.memory_space<vmem>>
      %dma_start3A_329 = arith.constant 0 : i32
      %dma_start3A_330 = arith.constant 0 : i32
      %dma_start3A_331 = tpu.memref_slice %arg17[%dma_start3A_329, %dma_start3A_330] : memref<10112x16xf32, #tpu.memory_space<vmem_shared>> -> memref<10112x16xf32, #tpu.memory_space<vmem_shared>>
      tpu.enqueue_indirect_dma source(%arg16 : memref<128x16xf32, #tpu.memory_space<vmem>>) target(%dma_start3A_331 : memref<10112x16xf32, #tpu.memory_space<vmem_shared>>) offsets(%dma_start3A_328 : memref<128xi32, #tpu.memory_space<vmem>>) semaphore(%arg34 : memref<!tpu.dma_semaphore, #tpu.memory_space<semaphore_mem>>) {add = true}
      %sub3A_332 = arith.constant 4 : i32
      %sub3A_333 = arith.subi %add3A_319, %sub3A_332 : i32
      %ge3A_334 = arith.constant 0 : i32
      %ge3A_335 = arith.cmpi sge, %sub3A_333, %ge3A_334 : i32
      %convert_element_type3A_336 = arith.extui %ge3A_335 : i1 to i32
      %cond3A_337 = arith.constant 0 : i32
      %cond3A_338 = arith.cmpi ne, %convert_element_type3A_336, %cond3A_337 : i32
      scf.if %cond3A_338 {
        %sub3A_346 = arith.constant 4 : i32
        %sub3A_347 = arith.subi %add3A_319, %sub3A_346 : i32
        %dma_wait3A_348 = arith.constant 0 : i32
        %dma_wait3A_349 = tpu.memref_slice %arg8[%sub3A_347, %dma_wait3A_348] : memref<80x128xi32, #tpu.memory_space<vmem>> -> memref<1x128xi32, #tpu.memory_space<vmem>>
        %dma_wait3A_350 = tpu.memref_squeeze %dma_wait3A_349 : memref<1x128xi32, #tpu.memory_space<vmem>> -> memref<128xi32, #tpu.memory_space<vmem>>
        %dma_wait3A_351 = arith.constant 0 : i32
        %dma_wait3A_352 = arith.constant 0 : i32
        %dma_wait3A_353 = tpu.memref_slice %arg17[%dma_wait3A_351, %dma_wait3A_352] : memref<10112x16xf32, #tpu.memory_space<vmem_shared>> -> memref<10112x16xf32, #tpu.memory_space<vmem_shared>>
        tpu.wait_indirect_dma semaphore(%arg30 : memref<!tpu.dma_semaphore, #tpu.memory_space<semaphore_mem>>) src(%arg12 : memref<128x16xf32, #tpu.memory_space<vmem>>) dst(%dma_wait3A_353 : memref<10112x16xf32, #tpu.memory_space<vmem_shared>>)
      } else {
      }
      %add3A_339 = arith.constant 4 : i32
      %add3A_340 = arith.addi %add3A_319, %add3A_339 : i32
      %lt3A_341 = arith.constant 80 : i32
      %lt3A_342 = arith.cmpi slt, %add3A_340, %lt3A_341 : i32
      %convert_element_type3A_343 = arith.extui %lt3A_342 : i1 to i32
      %cond3A_344 = arith.constant 0 : i32
      %cond3A_345 = arith.cmpi ne, %convert_element_type3A_343, %cond3A_344 : i32
      scf.if %cond3A_345 {
        %add3A_346 = arith.constant 4 : i32
        %add3A_347 = arith.addi %add3A_319, %add3A_346 : i32
        %dma_start3A_348 = arith.constant 0 : i32
        %dma_start3A_349 = tpu.memref_slice %arg7[%add3A_347, %dma_start3A_348] : memref<80x128xi32, #tpu.memory_space<vmem>> -> memref<1x128xi32, #tpu.memory_space<vmem>>
        %dma_start3A_350 = tpu.memref_squeeze %dma_start3A_349 : memref<1x128xi32, #tpu.memory_space<vmem>> -> memref<128xi32, #tpu.memory_space<vmem>>
        %dma_start3A_351 = arith.constant 0 : i32
        %dma_start3A_352 = arith.constant 0 : i32
        %dma_start3A_353 = tpu.memref_slice %arg18[%dma_start3A_351, %dma_start3A_352] : memref<10112x16xf32, #tpu.memory_space<vmem_shared>> -> memref<10112x16xf32, #tpu.memory_space<vmem_shared>>
        tpu.enqueue_indirect_dma source(%dma_start3A_353 : memref<10112x16xf32, #tpu.memory_space<vmem_shared>>) target(%arg12 : memref<128x16xf32, #tpu.memory_space<vmem>>) offsets(%dma_start3A_350 : memref<128xi32, #tpu.memory_space<vmem>>) semaphore(%arg22 : memref<!tpu.dma_semaphore, #tpu.memory_space<semaphore_mem>>)
      } else {
      }
    }
    %scan3A_87 = arith.constant 10 : i32
    %dma_wait3A_88 = arith.constant 76 : i32
    %dma_wait3A_89 = arith.constant 0 : i32
    %dma_wait3A_90 = tpu.memref_slice %arg8[%dma_wait3A_88, %dma_wait3A_89] : memref<80x128xi32, #tpu.memory_space<vmem>> -> memref<1x128xi32, #tpu.memory_space<vmem>>
    %dma_wait3A_91 = tpu.memref_squeeze %dma_wait3A_90 : memref<1x128xi32, #tpu.memory_space<vmem>> -> memref<128xi32, #tpu.memory_space<vmem>>
    %dma_wait3A_92 = arith.constant 0 : i32
    %dma_wait3A_93 = arith.constant 0 : i32
    %dma_wait3A_94 = tpu.memref_slice %arg17[%dma_wait3A_92, %dma_wait3A_93] : memref<10112x16xf32, #tpu.memory_space<vmem_shared>> -> memref<10112x16xf32, #tpu.memory_space<vmem_shared>>
    tpu.wait_indirect_dma semaphore(%arg31 : memref<!tpu.dma_semaphore, #tpu.memory_space<semaphore_mem>>) src(%arg13 : memref<128x16xf32, #tpu.memory_space<vmem>>) dst(%dma_wait3A_94 : memref<10112x16xf32, #tpu.memory_space<vmem_shared>>)
    %dma_wait3A_95 = arith.constant 77 : i32
    %dma_wait3A_96 = arith.constant 0 : i32
    %dma_wait3A_97 = tpu.memref_slice %arg8[%dma_wait3A_95, %dma_wait3A_96] : memref<80x128xi32, #tpu.memory_space<vmem>> -> memref<1x128xi32, #tpu.memory_space<vmem>>
    %dma_wait3A_98 = tpu.memref_squeeze %dma_wait3A_97 : memref<1x128xi32, #tpu.memory_space<vmem>> -> memref<128xi32, #tpu.memory_space<vmem>>
    %dma_wait3A_99 = arith.constant 0 : i32
    %dma_wait3A_100 = arith.constant 0 : i32
    %dma_wait3A_101 = tpu.memref_slice %arg17[%dma_wait3A_99, %dma_wait3A_100] : memref<10112x16xf32, #tpu.memory_space<vmem_shared>> -> memref<10112x16xf32, #tpu.memory_space<vmem_shared>>
    tpu.wait_indirect_dma semaphore(%arg32 : memref<!tpu.dma_semaphore, #tpu.memory_space<semaphore_mem>>) src(%arg14 : memref<128x16xf32, #tpu.memory_space<vmem>>) dst(%dma_wait3A_101 : memref<10112x16xf32, #tpu.memory_space<vmem_shared>>)
    %dma_wait3A_102 = arith.constant 78 : i32
    %dma_wait3A_103 = arith.constant 0 : i32
    %dma_wait3A_104 = tpu.memref_slice %arg8[%dma_wait3A_102, %dma_wait3A_103] : memref<80x128xi32, #tpu.memory_space<vmem>> -> memref<1x128xi32, #tpu.memory_space<vmem>>
    %dma_wait3A_105 = tpu.memref_squeeze %dma_wait3A_104 : memref<1x128xi32, #tpu.memory_space<vmem>> -> memref<128xi32, #tpu.memory_space<vmem>>
    %dma_wait3A_106 = arith.constant 0 : i32
    %dma_wait3A_107 = arith.constant 0 : i32
    %dma_wait3A_108 = tpu.memref_slice %arg17[%dma_wait3A_106, %dma_wait3A_107] : memref<10112x16xf32, #tpu.memory_space<vmem_shared>> -> memref<10112x16xf32, #tpu.memory_space<vmem_shared>>
    tpu.wait_indirect_dma semaphore(%arg33 : memref<!tpu.dma_semaphore, #tpu.memory_space<semaphore_mem>>) src(%arg15 : memref<128x16xf32, #tpu.memory_space<vmem>>) dst(%dma_wait3A_108 : memref<10112x16xf32, #tpu.memory_space<vmem_shared>>)
    %dma_wait3A_109 = arith.constant 79 : i32
    %dma_wait3A_110 = arith.constant 0 : i32
    %dma_wait3A_111 = tpu.memref_slice %arg8[%dma_wait3A_109, %dma_wait3A_110] : memref<80x128xi32, #tpu.memory_space<vmem>> -> memref<1x128xi32, #tpu.memory_space<vmem>>
    %dma_wait3A_112 = tpu.memref_squeeze %dma_wait3A_111 : memref<1x128xi32, #tpu.memory_space<vmem>> -> memref<128xi32, #tpu.memory_space<vmem>>
    %dma_wait3A_113 = arith.constant 0 : i32
    %dma_wait3A_114 = arith.constant 0 : i32
    %dma_wait3A_115 = tpu.memref_slice %arg17[%dma_wait3A_113, %dma_wait3A_114] : memref<10112x16xf32, #tpu.memory_space<vmem_shared>> -> memref<10112x16xf32, #tpu.memory_space<vmem_shared>>
    tpu.wait_indirect_dma semaphore(%arg34 : memref<!tpu.dma_semaphore, #tpu.memory_space<semaphore_mem>>) src(%arg16 : memref<128x16xf32, #tpu.memory_space<vmem>>) dst(%dma_wait3A_115 : memref<10112x16xf32, #tpu.memory_space<vmem_shared>>)
    %barrier3A_116 = arith.constant 0 : index
    tpu.barrier barrier_id(%barrier3A_116)
    %mul3A_117 = arith.constant 632 : i32
    %mul3A_118 = arith.muli %arg1, %mul3A_117 : i32
    %mul3A_119 = arith.constant 10112 : i32
    %mul3A_120 = arith.muli %arg0, %mul3A_119 : i32
    %mul3A_121 = arith.constant 632 : i32
    %mul3A_122 = arith.muli %arg1, %mul3A_121 : i32
    %add3A_123 = arith.addi %mul3A_120, %mul3A_122 : i32
    "tpu.region"() ({
      %run_scoped3A = tpu.sem_alloc : memref<!tpu.dma_semaphore, #tpu.memory_space<semaphore_mem>>
      %dma_start3A_124 = arith.constant 0 : i32
      %dma_start3A_125 = tpu.memref_slice %arg6[%add3A_123, %dma_start3A_124] : memref<20224x16xf32, #tpu.memory_space<hbm>> -> memref<632x16xf32, #tpu.memory_space<hbm>>
      %dma_start3A_126 = arith.constant 0 : i32
      %dma_start3A_127 = tpu.memref_slice %arg17[%mul3A_118, %dma_start3A_126] : memref<10112x16xf32, #tpu.memory_space<vmem_shared>> -> memref<632x16xf32, #tpu.memory_space<vmem_shared>>
      tpu.enqueue_dma source(%dma_start3A_127 : memref<632x16xf32, #tpu.memory_space<vmem_shared>>) target(%dma_start3A_125 : memref<632x16xf32, #tpu.memory_space<hbm>>) target_semaphore(%run_scoped3A : memref<!tpu.dma_semaphore, #tpu.memory_space<semaphore_mem>>)
      %dma_wait3A_128 = arith.constant 0 : i32
      %dma_wait3A_129 = tpu.memref_slice %arg6[%add3A_123, %dma_wait3A_128] : memref<20224x16xf32, #tpu.memory_space<hbm>> -> memref<632x16xf32, #tpu.memory_space<hbm>>
      %dma_wait3A_130 = arith.constant 0 : i32
      %dma_wait3A_131 = tpu.memref_slice %arg17[%mul3A_118, %dma_wait3A_130] : memref<10112x16xf32, #tpu.memory_space<vmem_shared>> -> memref<632x16xf32, #tpu.memory_space<vmem_shared>>
      tpu.wait_dma2 semaphore(%run_scoped3A : memref<!tpu.dma_semaphore, #tpu.memory_space<semaphore_mem>>) src(%dma_wait3A_131 : memref<632x16xf32, #tpu.memory_space<vmem_shared>>) dst(%dma_wait3A_129 : memref<632x16xf32, #tpu.memory_space<hbm>>)
      tpu.yield
    }) : () -> ()
    return
  }
}

module attributes {stable_mosaic.version = 14 : i64} {
  func.func @body(%arg0: memref<10000x128xf32, #tpu.memory_space<vmem>>, %arg1: memref<128x112xf32, #tpu.memory_space<vmem>>, %arg2: memref<10000x1xi32, #tpu.memory_space<vmem>>, %arg3: memref<1x16xf32, #tpu.memory_space<vmem>>, %arg4: memref<16x16xf32, #tpu.memory_space<vmem>>, %arg5: memref<10112x16xf32, #tpu.memory_space<vmem>>) attributes {dimension_semantics = [], scalar_prefetch = 0 : i64, scratch_operands = 0 : i64, tpu.core_type = #tpu.core_type<tc>} {
    %get3A = arith.constant 0 : index
    %get3A_0 = arith.constant 0 : index
    %get3A_1 = vector.load %arg0[%get3A, %get3A_0] : memref<10000x128xf32, #tpu.memory_space<vmem>>, vector<10000x128xf32>
    %get3A_2 = arith.constant 0 : index
    %get3A_3 = arith.constant 0 : index
    %get3A_4 = vector.load %arg1[%get3A_2, %get3A_3] : memref<128x112xf32, #tpu.memory_space<vmem>>, vector<128x112xf32>
    %dot_general3A = arith.constant dense<0.000000e+00> : vector<10000x112xf32>
    %dot_general3A_5 = tpu.matmul %get3A_1, %get3A_4, %dot_general3A {dimension_numbers = #tpu.dot_dimension_numbers<[1], [0], [0], [1], [0, 0, 1, 1], [], []>, transpose_lhs_hint = false} : vector<10000x128xf32>, vector<128x112xf32>, vector<10000x112xf32> -> vector<10000x112xf32>
    %iota3A = tpu.iota {dimensions = array<i32: 1>} : vector<10000x112xi32>
    %jit3A = arith.constant 16 : i32
    %div3A = vector.broadcast %jit3A : i32 to vector<10000x112xi32>
    %div3A_6 = arith.divsi %iota3A, %div3A : vector<10000x112xi32>
    %sign3A = arith.constant 0 : i32
    %sign3A_7 = vector.broadcast %sign3A : i32 to vector<10000x112xi32>
    %sign3A_8 = arith.cmpi sgt, %iota3A, %sign3A_7 : vector<10000x112xi32>
    %sign3A_9 = arith.extui %sign3A_8 : vector<10000x112xi1> to vector<10000x112xi32>
    %sign3A_10 = arith.constant 0 : i32
    %sign3A_11 = vector.broadcast %sign3A_10 : i32 to vector<10000x112xi32>
    %sign3A_12 = arith.cmpi slt, %iota3A, %sign3A_11 : vector<10000x112xi32>
    %sign3A_13 = arith.extui %sign3A_12 : vector<10000x112xi1> to vector<10000x112xi32>
    %sign3A_14 = arith.subi %sign3A_9, %sign3A_13 : vector<10000x112xi32>
    %sign3A_15 = arith.constant 0 : i32
    %sign3A_16 = arith.cmpi sgt, %jit3A, %sign3A_15 : i32
    %sign3A_17 = arith.extui %sign3A_16 : i1 to i32
    %sign3A_18 = arith.constant 0 : i32
    %sign3A_19 = arith.cmpi slt, %jit3A, %sign3A_18 : i32
    %sign3A_20 = arith.extui %sign3A_19 : i1 to i32
    %sign3A_21 = arith.subi %sign3A_17, %sign3A_20 : i32
    %ne3A = vector.broadcast %sign3A_21 : i32 to vector<10000x112xi32>
    %ne3A_22 = arith.cmpi ne, %sign3A_14, %ne3A : vector<10000x112xi32>
    %rem3A = vector.broadcast %jit3A : i32 to vector<10000x112xi32>
    %rem3A_23 = arith.remsi %iota3A, %rem3A : vector<10000x112xi32>
    %ne3A_24 = arith.constant 0 : i32
    %ne3A_25 = vector.broadcast %ne3A_24 : i32 to vector<10000x112xi32>
    %ne3A_26 = arith.cmpi ne, %rem3A_23, %ne3A_25 : vector<10000x112xi32>
    %and3A = arith.andi %ne3A_22, %ne3A_26 : vector<10000x112xi1>
    %sub3A = arith.constant 1 : i32
    %sub3A_27 = vector.broadcast %sub3A : i32 to vector<10000x112xi32>
    %sub3A_28 = arith.subi %div3A_6, %sub3A_27 : vector<10000x112xi32>
    %select_n3A = arith.select %and3A, %sub3A_28, %div3A_6 : vector<10000x112xi1>, vector<10000x112xi32>
    %get3A_29 = arith.constant 0 : index
    %get3A_30 = arith.constant 0 : index
    %get3A_31 = vector.load %arg2[%get3A_29, %get3A_30] : memref<10000x1xi32, #tpu.memory_space<vmem>>, vector<10000x1xi32>
    %eq3A = vector.broadcast %get3A_31 : vector<10000x1xi32> to vector<10000x112xi32>
    %eq3A_32 = arith.cmpi eq, %select_n3A, %eq3A : vector<10000x112xi32>
    %jit3A_33 = arith.constant 0.000000e+00 : f32
    %broadcast_in_dim3A = vector.broadcast %jit3A_33 : f32 to vector<10000x112xf32>
    %select_n3A_34 = arith.select %eq3A_32, %dot_general3A_5, %broadcast_in_dim3A : vector<10000x112xi1>, vector<10000x112xf32>
    %iota3A_35 = tpu.iota {dimensions = array<i32: 0>} : vector<112x16xi32>
    %jit3A_36 = arith.constant 16 : i32
    %eq3A_37 = arith.constant 0 : i32
    %eq3A_38 = arith.cmpi eq, %jit3A_36, %eq3A_37 : i32
    %jit3A_39 = arith.constant 1 : i32
    %select_n3A_40 = arith.select %eq3A_38, %jit3A_39, %jit3A_36 : i32
    %rem3A_41 = vector.broadcast %select_n3A_40 : i32 to vector<112x16xi32>
    %rem3A_42 = arith.remsi %iota3A_35, %rem3A_41 : vector<112x16xi32>
    %ne3A_43 = arith.constant 0 : i32
    %ne3A_44 = vector.broadcast %ne3A_43 : i32 to vector<112x16xi32>
    %ne3A_45 = arith.cmpi ne, %rem3A_42, %ne3A_44 : vector<112x16xi32>
    %lt3A = arith.constant 0 : i32
    %lt3A_46 = vector.broadcast %lt3A : i32 to vector<112x16xi32>
    %lt3A_47 = arith.cmpi slt, %rem3A_42, %lt3A_46 : vector<112x16xi32>
    %lt3A_48 = arith.constant 0 : i32
    %lt3A_49 = arith.cmpi slt, %select_n3A_40, %lt3A_48 : i32
    %ne3A_50 = vector.broadcast %lt3A_49 : i1 to vector<112x16xi1>
    %ne3A_51 = vector.broadcast %ne3A_50 : vector<112x16xi1> to vector<112x16xi1>
    %ne3A_52 = arith.xori %lt3A_47, %ne3A_51 : vector<112x16xi1>
    %and3A_53 = arith.andi %ne3A_52, %ne3A_45 : vector<112x16xi1>
    %add3A = vector.broadcast %select_n3A_40 : i32 to vector<112x16xi32>
    %add3A_54 = arith.addi %rem3A_42, %add3A : vector<112x16xi32>
    %select_n3A_55 = arith.select %and3A_53, %add3A_54, %rem3A_42 : vector<112x16xi1>, vector<112x16xi32>
    %iota3A_56 = tpu.iota {dimensions = array<i32: 1>} : vector<112x16xi32>
    %eq3A_57 = arith.cmpi eq, %select_n3A_55, %iota3A_56 : vector<112x16xi32>
    %convert_element_type3A = arith.extui %eq3A_57 : vector<112x16xi1> to vector<112x16xi32>
    %convert_element_type3A_58 = arith.sitofp %convert_element_type3A : vector<112x16xi32> to vector<112x16xf32>
    %dot_general3A_59 = arith.constant dense<0.000000e+00> : vector<10000x16xf32>
    %dot_general3A_60 = tpu.matmul %select_n3A_34, %convert_element_type3A_58, %dot_general3A_59 {dimension_numbers = #tpu.dot_dimension_numbers<[1], [0], [0], [1], [0, 0, 1, 1], [], []>, transpose_lhs_hint = false} : vector<10000x112xf32>, vector<112x16xf32>, vector<10000x16xf32> -> vector<10000x16xf32>
    %get3A_61 = arith.constant 0 : index
    %get3A_62 = arith.constant 0 : index
    %get3A_63 = vector.load %arg3[%get3A_61, %get3A_62] : memref<1x16xf32, #tpu.memory_space<vmem>>, vector<1x16xf32>
    %add3A_64 = vector.broadcast %get3A_63 : vector<1x16xf32> to vector<10000x16xf32>
    %add3A_65 = arith.addf %dot_general3A_60, %add3A_64 : vector<10000x16xf32>
    %jit3A_66 = arith.constant 0.00999999977 : f32
    %ge3A = arith.constant 0.000000e+00 : f32
    %ge3A_67 = vector.broadcast %ge3A : f32 to vector<10000x16xf32>
    %ge3A_68 = arith.cmpf oge, %add3A_65, %ge3A_67 : vector<10000x16xf32>
    %mul3A = vector.broadcast %jit3A_66 : f32 to vector<10000x16xf32>
    %mul3A_69 = arith.mulf %mul3A, %add3A_65 : vector<10000x16xf32>
    %select_n3A_70 = arith.select %ge3A_68, %add3A_65, %mul3A_69 : vector<10000x16xi1>, vector<10000x16xf32>
    %get3A_71 = arith.constant 0 : index
    %get3A_72 = arith.constant 0 : index
    %get3A_73 = vector.load %arg4[%get3A_71, %get3A_72] : memref<16x16xf32, #tpu.memory_space<vmem>>, vector<16x16xf32>
    %dot_general3A_74 = arith.constant dense<0.000000e+00> : vector<10000x16xf32>
    %dot_general3A_75 = tpu.matmul %select_n3A_70, %get3A_73, %dot_general3A_74 {dimension_numbers = #tpu.dot_dimension_numbers<[1], [0], [0], [1], [0, 0, 1, 1], [], []>, transpose_lhs_hint = false} : vector<10000x16xf32>, vector<16x16xf32>, vector<10000x16xf32> -> vector<10000x16xf32>
    %swap3A = arith.constant 0 : index
    %swap3A_76 = arith.constant 0 : index
    %swap3A_77 = vector.load %arg5[%swap3A, %swap3A_76] : memref<10112x16xf32, #tpu.memory_space<vmem>>, vector<10000x16xf32>
    tpu.vector_store %arg5[%swap3A, %swap3A_76], %dot_general3A_75 {strides = array<i32>} : memref<10112x16xf32, #tpu.memory_space<vmem>>, vector<10000x16xf32>,
    %broadcast_in_dim3A_78 = arith.constant 0.000000e+00 : f32
    %broadcast_in_dim3A_79 = vector.broadcast %broadcast_in_dim3A_78 : f32 to vector<112x16xf32>
    %swap3A_80 = arith.constant 10000 : index
    %swap3A_81 = arith.constant 0 : index
    %swap3A_82 = vector.load %arg5[%swap3A_80, %swap3A_81] : memref<10112x16xf32, #tpu.memory_space<vmem>>, vector<112x16xf32>
    tpu.vector_store %arg5[%swap3A_80, %swap3A_81], %broadcast_in_dim3A_79 {strides = array<i32>} : memref<10112x16xf32, #tpu.memory_space<vmem>>, vector<112x16xf32>,
    return
  }
}

module attributes {stable_mosaic.version = 14 : i64} {
  func.func @body(%arg0: memref<20224x16xf32, #tpu.memory_space<vmem>>, %arg1: memref<16x16xf32, #tpu.memory_space<vmem>>, %arg2: memref<1x16xf32, #tpu.memory_space<vmem>>, %arg3: memref<16x32xf32, #tpu.memory_space<vmem>>, %arg4: memref<1x32xf32, #tpu.memory_space<vmem>>, %arg5: memref<1x32xf32, #tpu.memory_space<vmem>>, %arg6: memref<1x1xf32, #tpu.memory_space<vmem>>, %arg7: memref<1x1xf32, #tpu.memory_space<vmem>>, %arg8: memref<1x32xf32, #tpu.memory_space<vmem>>) attributes {dimension_semantics = [], scalar_prefetch = 0 : i64, scratch_operands = 0 : i64, tpu.core_type = #tpu.core_type<tc>} {
    %get3A = arith.constant 0 : index
    %get3A_0 = arith.constant 0 : index
    %get3A_1 = vector.load %arg0[%get3A, %get3A_0] : memref<20224x16xf32, #tpu.memory_space<vmem>>, vector<10112x16xf32>
    %get3A_2 = arith.constant 10112 : index
    %get3A_3 = arith.constant 0 : index
    %get3A_4 = vector.load %arg0[%get3A_2, %get3A_3] : memref<20224x16xf32, #tpu.memory_space<vmem>>, vector<10112x16xf32>
    %add3A = arith.addf %get3A_1, %get3A_4 : vector<10112x16xf32>
    %get3A_5 = arith.constant 0 : index
    %get3A_6 = arith.constant 0 : index
    %get3A_7 = vector.load %arg1[%get3A_5, %get3A_6] : memref<16x16xf32, #tpu.memory_space<vmem>>, vector<16x16xf32>
    %dot_general3A = arith.constant dense<0.000000e+00> : vector<10112x16xf32>
    %dot_general3A_8 = tpu.matmul %add3A, %get3A_7, %dot_general3A {dimension_numbers = #tpu.dot_dimension_numbers<[1], [0], [0], [1], [0, 0, 1, 1], [], []>, transpose_lhs_hint = false} : vector<10112x16xf32>, vector<16x16xf32>, vector<10112x16xf32> -> vector<10112x16xf32>
    %get3A_9 = arith.constant 0 : index
    %get3A_10 = arith.constant 0 : index
    %get3A_11 = vector.load %arg2[%get3A_9, %get3A_10] : memref<1x16xf32, #tpu.memory_space<vmem>>, vector<1x16xf32>
    %add3A_12 = vector.broadcast %get3A_11 : vector<1x16xf32> to vector<10112x16xf32>
    %add3A_13 = arith.addf %dot_general3A_8, %add3A_12 : vector<10112x16xf32>
    %jit3A = arith.constant 0.00999999977 : f32
    %ge3A = arith.constant 0.000000e+00 : f32
    %ge3A_14 = vector.broadcast %ge3A : f32 to vector<10112x16xf32>
    %ge3A_15 = arith.cmpf oge, %add3A_13, %ge3A_14 : vector<10112x16xf32>
    %mul3A = vector.broadcast %jit3A : f32 to vector<10112x16xf32>
    %mul3A_16 = arith.mulf %mul3A, %add3A_13 : vector<10112x16xf32>
    %select_n3A = arith.select %ge3A_15, %add3A_13, %mul3A_16 : vector<10112x16xi1>, vector<10112x16xf32>
    %slice3A = vector.extract_strided_slice %select_n3A {offsets = [0, 0], sizes = [10000, 16], strides = [1, 1]} : vector<10112x16xf32> to vector<10000x16xf32>
    %get3A_17 = arith.constant 0 : index
    %get3A_18 = arith.constant 0 : index
    %get3A_19 = vector.load %arg3[%get3A_17, %get3A_18] : memref<16x32xf32, #tpu.memory_space<vmem>>, vector<16x32xf32>
    %dot_general3A_20 = arith.constant dense<0.000000e+00> : vector<10000x32xf32>
    %dot_general3A_21 = tpu.matmul %slice3A, %get3A_19, %dot_general3A_20 {dimension_numbers = #tpu.dot_dimension_numbers<[1], [0], [0], [1], [0, 0, 1, 1], [], []>, transpose_lhs_hint = false} : vector<10000x16xf32>, vector<16x32xf32>, vector<10000x32xf32> -> vector<10000x32xf32>
    %reduce_sum3A = arith.constant dense<0.000000e+00> : vector<32xf32>
    %reduce_sum3A_22 = vector.multi_reduction <add>, %dot_general3A_21, %reduce_sum3A [0] : vector<10000x32xf32> to vector<32xf32>
    %broadcast_in_dim3A = vector.shape_cast %reduce_sum3A_22 : vector<32xf32> to vector<1x32xf32>
    %div3A = arith.constant 1.000000e+04 : f32
    %div3A_23 = vector.broadcast %div3A : f32 to vector<1x32xf32>
    %div3A_24 = arith.divf %broadcast_in_dim3A, %div3A_23 : vector<1x32xf32>
    %get3A_25 = arith.constant 0 : index
    %get3A_26 = arith.constant 0 : index
    %get3A_27 = vector.load %arg4[%get3A_25, %get3A_26] : memref<1x32xf32, #tpu.memory_space<vmem>>, vector<1x32xf32>
    %add3A_28 = arith.addf %div3A_24, %get3A_27 : vector<1x32xf32>
    %jit3A_29 = arith.constant 0.00999999977 : f32
    %ge3A_30 = arith.constant 0.000000e+00 : f32
    %ge3A_31 = vector.broadcast %ge3A_30 : f32 to vector<1x32xf32>
    %ge3A_32 = arith.cmpf oge, %add3A_28, %ge3A_31 : vector<1x32xf32>
    %mul3A_33 = vector.broadcast %jit3A_29 : f32 to vector<1x32xf32>
    %mul3A_34 = arith.mulf %mul3A_33, %add3A_28 : vector<1x32xf32>
    %select_n3A_35 = arith.select %ge3A_32, %add3A_28, %mul3A_34 : vector<1x32xi1>, vector<1x32xf32>
    %get3A_36 = arith.constant 0 : index
    %get3A_37 = arith.constant 0 : index
    %get3A_38 = vector.load %arg5[%get3A_36, %get3A_37] : memref<1x32xf32, #tpu.memory_space<vmem>>, vector<1x32xf32>
    %mul3A_39 = arith.mulf %select_n3A_35, %get3A_38 : vector<1x32xf32>
    %reduce_sum3A_40 = arith.constant dense<0.000000e+00> : vector<1xf32>
    %reduce_sum3A_41 = vector.multi_reduction <add>, %mul3A_39, %reduce_sum3A_40 [1] : vector<1x32xf32> to vector<1xf32>
    %broadcast_in_dim3A_42 = vector.shape_cast %reduce_sum3A_41 : vector<1xf32> to vector<1x1xf32>
    %get3A_43 = arith.constant 0 : index
    %get3A_44 = arith.constant 0 : index
    %get3A_45 = vector.load %arg6[%get3A_43, %get3A_44] : memref<1x1xf32, #tpu.memory_space<vmem>>, vector<1x1xf32>
    %add3A_46 = arith.addf %broadcast_in_dim3A_42, %get3A_45 : vector<1x1xf32>
    %logistic3A = arith.negf %add3A_46 : vector<1x1xf32>
    %logistic3A_47 = math.exp %logistic3A : vector<1x1xf32>
    %logistic3A_48 = arith.constant 1.000000e+00 : f32
    %logistic3A_49 = vector.broadcast %logistic3A_48 : f32 to vector<1x1xf32>
    %logistic3A_50 = arith.addf %logistic3A_49, %logistic3A_47 : vector<1x1xf32>
    %logistic3A_51 = arith.divf %logistic3A_49, %logistic3A_50 : vector<1x1xf32>
    %swap3A = arith.constant 0 : index
    %swap3A_52 = arith.constant 0 : index
    %swap3A_53 = vector.load %arg7[%swap3A, %swap3A_52] : memref<1x1xf32, #tpu.memory_space<vmem>>, vector<1x1xf32>
    tpu.vector_store %arg7[%swap3A, %swap3A_52], %logistic3A_51 {strides = array<i32>} : memref<1x1xf32, #tpu.memory_space<vmem>>, vector<1x1xf32>,
    %swap3A_54 = arith.constant 0 : index
    %swap3A_55 = arith.constant 0 : index
    %swap3A_56 = vector.load %arg8[%swap3A_54, %swap3A_55] : memref<1x32xf32, #tpu.memory_space<vmem>>, vector<1x32xf32>
    tpu.vector_store %arg8[%swap3A_54, %swap3A_55], %select_n3A_35 {strides = array<i32>} : memref<1x32xf32, #tpu.memory_space<vmem>>, vector<1x32xf32>,
    return
  }
}

</mosaic_0001>

<sc_bundles>
// kernel: kernel.6.cloned.1.call-start
scs
__scs_entry_jumppad:
0x0: {  	(pc) =	sbr.rel $0x88, $3  }
0x1: {  	(tag) =	ssettag $0x0;
	lr =	simm.s32 $0x1  }
0x2: {  	[smem:$0x3F95] =	sst lr;
	_ =	strace $0xD0000000  }
0x3: {  	_ = 	snop  }
0x4: {  	_ = 	snop  }
0x5: {  	_ = 	snop  }
0x6: {  	_ = 	snop  }
0x7: {  	_ = 	snop  }
__scs_overlays_trampoline_lowered:
0x8: {  	[smem:$0x3FA4] =	sst s0  }
0x9: {  	[smem:$0x3FA5] =	sst s1  }
0xa: {  	[smem:$0x3FA6] =	sst s2  }
0xb: {  	[smem:$0x3FA7] =	sst s3  }
0xc: {  	[smem:$0x3FA8] =	sst s4  }
0xd: {  	[smem:$0x3FA9] =	sst s5  }
0xe: {  	[smem:$0x3FAA] =	sst s6  }
0xf: {  	[smem:$0x3FAB] =	sst s7  }
0x10: {  	[smem:$0x3FAC] =	sst s8  }
0x11: {  	[smem:$0x3FAD] =	sst s9;
	s0 =	simm.s32 @!p0 $0x0  }
0x12: {  	s1 =	sld [smem:$0x3F93];
	s0 =	simm.s32 @p0 $0x1  }
0x13: {  	[smem:$0x3FAE] =	sst s0;
	s0 =	simm.s32 @!p1 $0x0  }
0x14: {  	s2 =	sld [smem:$0x3F92];
	s0 =	simm.s32 @p1 $0x1  }
0x15: {  	[smem:$0x3FAF] =	sst s0;
	s0 =	simm.s32 @!p2 $0x0  }
0x16: {  	s3 =	sld [smem:$0x3FDB];
	s0 =	simm.s32 @p2 $0x1  }
0x17: {  	s4 =	simm.s32 $0x1BF5;
	[smem:$0x3FB1] =	sst s0  }
0x18: {  	s0 =	sld [smem:$0x3F94];
	_ =	swait.ge [sflag:s4], $0x0  }
0x19: {  	s7 =	sld [smem:$0x3F95]  }
0x1a: {  	s8 =	sadd.s32 $0xFFFFE003, lr  }
0x1b: {  	s9 =	sadd.s32 $0xFFFFFEF7, lr;
	s5 =	simm.s32 $0xFFFFFFFF;
	p2 =	slt.u32 s8, $0xFFFFF086  }
0x1c: {  	p1 =	slt.u32 s9, $0xF7A;
	s5 =	simm.s32 @!p2 $0x0  }
0x1d: {  	s5 =	simm.s32 @p1 $0x1;
	p0 =	seq.s32 s7, s2  }
0x1e: {  	s7 =	smul.u32 @!p0 $0xF7A, s2;
	p2 =	seq.s32 @!p0 s5, $0x0  }
0x1f: {  	s9 =	smul.u32 $0xF7A, s1;
	s8 =	simm.s32 @!p0 $0x1BF5;
	p2 =	por !p2, p0  }
0x20: {  	[sflag:s8] =	ssyncset.s32 @!p0 $0xFFFFF086;
	s6 =	sadd.s32 @!p0 s3, s7;
	s7 =	simm.s32 @!p0 $0x108  }
0x21: {  	s3 =	sadd.s32 s3, s9;
	s6 =	sadd.s32 @!p0 $0x88, s6;
	s7 =	simm.s32 @p2 $0x1082  }
0x22: {  	[simem:s7], [sflag:s8] =	dma.local @!p0 [hbm:s6], $0xF7A  }
0x23: {  	s9 =	sor.u32 $0xD0000000, s2;
	s6 =	simm.s32 $0x108;
	_ =	swait.ge @!p0 [sflag:s8], $0x0  }
0x24: {  	s3 =	sadd.s32 $0x88, s3;
	s6 =	simm.s32 @!p1 $0x1082;
	[sflag:s4] =	ssyncset.s32 $0xFFFFF086  }
0x25: {  	[simem:s6], [sflag:s4] =	dma.local [hbm:s3], $0xF7A  }
0x26: {  	[smem:$0x3F95] =	sst s1;
	(tag) =	ssettag s2;
	_ =	strace s9  }
0x27: {  	s1 =	sld [smem:$0x3FA5]  }
0x28: {  	s2 =	sld [smem:$0x3FA6]  }
0x29: {  	s4 =	sld [smem:$0x3FA8]  }
0x2a: {  	p0 =	seq.s32 s5, $0x0;
	s5 =	sld [smem:$0x3FA9]  }
0x2b: {  	s6 =	sld [smem:$0x3FAA]  }
0x2c: {  	s7 =	sld [smem:$0x3FAB]  }
0x2d: {  	s3 =	simm.s32 $0x108;
	s8 =	sld [smem:$0x3FAC]  }
0x2e: {  	s3 =	simm.s32 @!p0 $0x1082;
	s9 =	sld [smem:$0x3FAD]  }
0x2f: {  	lr =	sadd.s32 s0, s3;
	s0 =	sld [smem:$0x3FA4]  }
0x30: {  	s3 =	sld [smem:$0x3FA7]  }
0x31: {  	[smem:$0x3FB0] =	sst s10  }
0x32: {  	s10 =	sld [smem:$0x3FAE];
	_ =	sdelay $0x3  }
0x33: {  	p0 =	seq.s32 s10, $0x1;
	s10 =	sld [smem:$0x3FB0];
	_ =	sdelay $0x3  }
0x34: {  	[smem:$0x3FB0] =	sst s10  }
0x35: {  	s10 =	sld [smem:$0x3FAF];
	_ =	sdelay $0x3  }
0x36: {  	p1 =	seq.s32 s10, $0x1;
	s10 =	sld [smem:$0x3FB0];
	_ =	sdelay $0x3  }
0x37: {  	[smem:$0x3FB0] =	sst s10  }
0x38: {  	s10 =	sld [smem:$0x3FB1]  }
0x39: {  	_ = 	snop;
	(pc) =	sbr.ind lr, $3  }
0x3a: {  	_ = 	snop  }
0x3b: {  	_ = 	snop  }
0x3c: {  	p2 =	seq.s32 s10, $0x1;
	s10 =	sld [smem:$0x3FB0]  }
0x3d: {  	_ =	shalt  }
0x3e: {  	_ =	shalt  }
0x3f: {  	_ =	shalt  }
0x40: {  	_ =	shalt  }
0x41: {  	_ =	shalt  }
0x42: {  	_ =	shalt  }
0x43: {  	_ =	shalt  }
0x44: {  	_ =	shalt  }
0x45: {  	_ =	shalt  }
0x46: {  	_ =	shalt  }
0x47: {  	_ =	shalt  }
0x48: {  	_ =	shalt  }
0x49: {  	_ =	shalt  }
0x4a: {  	_ =	shalt  }
0x4b: {  	_ =	shalt  }
0x4c: {  	_ =	shalt  }
0x4d: {  	_ =	shalt  }
0x4e: {  	_ =	shalt  }
0x4f: {  	_ =	shalt  }
0x50: {  	_ =	shalt  }
0x51: {  	_ =	shalt  }
0x52: {  	_ =	shalt  }
0x53: {  	_ =	shalt  }
0x54: {  	_ =	shalt  }
0x55: {  	_ =	shalt  }
0x56: {  	_ =	shalt  }
0x57: {  	_ =	shalt  }
0x58: {  	_ =	shalt  }
0x59: {  	_ =	shalt  }
0x5a: {  	_ =	shalt  }
0x5b: {  	_ =	shalt  }
0x5c: {  	_ =	shalt  }
0x5d: {  	_ =	shalt  }
0x5e: {  	_ =	shalt  }
0x5f: {  	_ =	shalt  }
0x60: {  	_ =	shalt  }
0x61: {  	_ =	shalt  }
0x62: {  	_ =	shalt  }
0x63: {  	_ =	shalt  }
0x64: {  	_ =	shalt  }
0x65: {  	_ =	shalt  }
0x66: {  	_ =	shalt  }
0x67: {  	_ =	shalt  }
0x68: {  	_ =	shalt  }
0x69: {  	_ =	shalt  }
0x6a: {  	_ =	shalt  }
0x6b: {  	_ =	shalt  }
0x6c: {  	_ =	shalt  }
0x6d: {  	_ =	shalt  }
0x6e: {  	_ =	shalt  }
0x6f: {  	_ =	shalt  }
0x70: {  	_ =	shalt  }
0x71: {  	_ =	shalt  }
0x72: {  	_ =	shalt  }
0x73: {  	_ =	shalt  }
0x74: {  	_ =	shalt  }
0x75: {  	_ =	shalt  }
0x76: {  	_ =	shalt  }
0x77: {  	_ =	shalt  }
0x78: {  	_ =	shalt  }
0x79: {  	_ =	shalt  }
0x7a: {  	_ =	shalt  }
0x7b: {  	_ =	shalt  }
0x7c: {  	_ =	shalt  }
0x7d: {  	_ =	shalt  }
0x7e: {  	_ =	shalt  }
0x7f: {  	_ =	shalt  }
0x80: {  	_ =	shalt  }
0x81: {  	_ =	shalt  }
0x82: {  	_ =	shalt  }
0x83: {  	_ =	shalt  }
0x84: {  	_ =	shalt  }
0x85: {  	_ =	shalt  }
0x86: {  	_ =	shalt  }
0x87: {  	_ =	shalt  }
.Lfunc_end0:
.L_simem_size_0:
called_computation_lowered:
.L_overlay_start_0:
0x88: {  	s2 =	sld [smem:$0x3FD9]  }
0x89: {  	s3 =	sld [smem:$0x3FFE];
	_ =	sdelay $0x1  }
0x8a: {  	s1 =	srdreg.scid  }
0x8b: {  	s0 =	sand.u32 $0x1, s1  }
0x8c: {  	s16 =	sshll.u32 s0, $0xA;
	s2 =	sadd.s32 s3, s2  }
0x8d: {  	s2 =	sadd.s32 s2, s16  }
0x8e: {  	[smem:$0x3FBC] =	sst s2  }
0x8f: {  	_ = 	snop  }
0x90: {  	(tm) =	ssettm $0x1  }
0x91: {  	s17 =	sld [smem:$0x3FFB];
	_ =	sdelay $0x3  }
0x92: {  	_ =	strace s17  }
0x93: {  	s2 =	sld [smem:$0x3FFC];
	_ =	sdelay $0x3  }
0x94: {  	_ =	strace s2  }
0x95: {  	s2 =	sld [smem:$0x3FFD];
	_ =	sdelay $0x3  }
0x96: {  	_ =	strace s2  }
0x97: {  	_ =	strace $0x8FFFFFFF  }
0x98: {  	s18 =	sld [smem:$0x3FDB];
	_ =	sdelay $0x1  }
0x99: {  	s19 =	simm.s32 $_scs_section_size  }
0x9a: {  	s4 =	simm.s32 $_size__tile_overlayer_lowered;
	s5 =	simm.s32 $_tile_overlayer_lowered  }
0x9b: {  	s22 =	simm.s32 $0x1BFF;
	s21 =	sshll.u32 s5, $0x1;
	s2 =	sadd.s32 s19, s18  }
0x9c: {  	s6 =	simm.s32 $0x0;
	s20 =	sshll.u32 s4, $0x1;
	s4 =	sadd.s32 s21, s2  }
0x9d: {  	[timem:s6], [sflag:s22] =	dma.local [hbm:s4], s20  }
0x9e: {  	_ =	swait.ge [sflag:s22], s20  }
0x9f: {  	s3 =	ssub.s32 $0x0, s20;
	[sflag:s22] =	ssyncset.done $0x0  }
0xa0: {  	[sflag:s22] =	ssyncadd.s32 s3;
	_ =	sdelay $0x1  }
0xa1: {  	s23 =	simm.s32 $0x1B8B  }
0xa2: {  	_ =	swait.ge [sflag:s23], $0x1  }
0xa3: {  	[sflag:s23] =	ssyncset.done $0x0  }
0xa4: {  	s25 =	simm.s32 $0x1B8E;
	s24 =	sld [smem:$0x3FFE];
	[sflag:s23] =	ssyncadd.s32 $0xFFFFFFFF  }
0xa5: {  	s26 =	simm.s32 $execute0_lowered;
	[smem:$0x3FD2] =	sst s25  }
0xa6: {  	s4 =	sshll.u32 s26, $0x1;
	_ =	strace $0x80000046;
	[dreg:$0x1] =	wrdreg $0xFFFFFFFF  }
0xa7: {  	s28 =	simm.s32 $_size_execute0_lowered;
	s2 =	sadd.s32 s2, s4;
	[dreg:$0x0] =	wrdreg $0x0  }
0xa8: {  	s4 =	sshll.u32 s28, $0x1;
	[dreg:$0x2] =	wrdreg s2  }
0xa9: {  	[dreg:$0x3] =	wrdreg s4  }
0xaa: {  	[dreg:$0x4] =	wrdreg $0xC0  }
0xab: {  	_ =	task [dreg:s6], $0x5FFFF  }
0xac: {  	[dreg:$0x1] =	wrdreg $0xFFFFFFFF  }
0xad: {  	[dreg:$0x0] =	wrdreg $0x60  }
0xae: {  	[dreg:$0x2] =	wrdreg s24  }
0xaf: {  	[dreg:$0x3] =	wrdreg $0xB7800  }
0xb0: {  	[dreg:$0x4] =	wrdreg $0x90000  }
0xb1: {  	[dreg:$0x5] =	wrdreg $0x9  }
0xb2: {  	_ =	task.clear_ibuf [dreg:s6], $0x6FFFF;
	_ =	strace $0x90000046  }
0xb3: {  	s29 =	simm.s32 $0x9;
	_ =	strace $0x80000048  }
0xb4: {  	_ =	swait.ge [sflag:s29], $0x1  }
0xb5: {  	[sflag:s29] =	ssyncadd.s32 $0xFFFFFFFF  }
0xb6: {  	_ =	strace $0x90000048  }
0xb7: {  	_ =	sfence  }
0xb8: {  	s30 =	sld [smem:$0x0];
	_ =	sdelay $0x2  }
0xb9: {  	s31 =	sshll.u32 s1, $0xD;
	s1 =	sshrl.u32 s1, $0x2  }
0xba: {  	s3 =	sand.u32 $0x4000, s31;
	s1 =	sadd.s32 s1, s30  }
0xbb: {  	s0 =	sor.u32 s3, s0;
	s1 =	sshll.u32 s1, $0x11  }
0xbc: {  	s0 =	sor.u32 s1, s0  }
0xbd: {  	s0 =	sadd.s32 $0x8F2B, s0  }
0xbe: {  	[sflag:s0] =	ssyncadd.remote.s32 $0x1  }
0xbf: {  	_ =	sfence.sel $0xFFFF  }
0xc0: {  	[dreg:$0x0] =	wrdreg $0xFFFFFFFF;
	(pc) =	sbr.abs _section_cstart, $3  }
0xc1: {  	[dreg:$0x1] =	wrdreg $0xFFFFFFFF  }
0xc2: {  	_ =	task.clear_ibuf [dreg:s6], $0x2FFFF;
	_ =	strace $0x9FFFFFFF  }
0xc3: {  	(tm) =	ssettm $0x7FFFFFFF  }
tec
execute0_lowered:
.L_overlay_start_1:
0x0: {  	(tag) =	ssettag $0x1  }
0x1: {  	s4 =	rddreg [dreg:$0x0]  }
0x2: {  	s0 =	srdreg.scid;
	s2 =	rddreg [dreg:$0x1]  }
0x3: {  	s9 =	stileid.u32;
	s3 =	rddreg [dreg:$0x2];
	s7 =	simm.s32 $0x0  }
0x4: {  	s28 =	simm.s32 $0x6800;
	s29 =	simm.s32 $0x1;
	s30 =	simm.s32 $0x7000  }
0x5: {  	s31 =	simm.s32 $0x2;
	s16 =	simm.s32 $0x8000;
	s10 =	simm.s32 $0x8  }
0x6: {  	s11 =	simm.s32 $0xC;
	s17 =	simm.s32 $0x0;
	s5 =	smul.u32 $0x2780, s9  }
0x7: {  	s0 =	sand.u32 $0x1, s0;
	s6 =	smul.u32 $0x4F0, s9;
	[smem:$0x7FF] =	sst s7  }
0x8: {  	s22 =	sshll.u32 s9, $0x6;
	s7 =	simm.s32 $0x9;
	s1 =	sshll.u32 s0, $0x4  }
0x9: {  	s18 =	smul.u32 $0x4F00, s0;
	_ =	strace $0x80000047;
	s0 =	ssub.s32 $0x2, s0  }
0xa: {  	[dreg:$0x5] =	wrdreg s22;
	s26 =	sor.u32 $0x1C12, s22;
	s1 =	sor.u32 s9, s1  }
0xb: {  	s8 =	sshrl.u32 s5, $0x3;
	s19 =	sshrl.u32 s0, $0x1;
	s20 =	sadd.s32 s5, s2  }
0xc: {  	s9 =	sor.u32 $0x1C11, s22;
	s5 =	sadd.s32 s5, s3;
	[dreg:$0xd] =	wrdreg s26  }
0xd: {  	s22 =	simm.s32 $0x5000;
	s26 =	simm.s32 $0x8800;
	s1 =	smul.u32 $0x500, s1  }
0xe: {  	s6 =	sadd.s32 s6, s18;
	s8 =	sadd.s32 s8, s4;
	s0 =	ssub.s32 s0, s19  }
0xf: {  	[dreg:$0x6] =	wrdreg s9;
	s25 =	sshrl.u32 s20, $0x3;
	s15 =	sshrl.u32 s5, $0x3  }
0x10: {  	s5 =	simm.s32 $0x5;
	s21 =	sadd.s32 $0x1400, s8;
	[dreg:$0xc] =	wrdreg s25  }
0x11: {  	s9 =	simm.s32 $0xB;
	s8 =	sadd.s32 $0x1A400, s8;
	[dreg:$0x4] =	wrdreg s21  }
0x12: {  	s0 =	smax.u32 s0, $0x1;
	s25 =	simm.s32 $0x6000;
	[dreg:$0x7] =	wrdreg s8  }
0x13: {  	s1 =	sadd.s32 s1, s4;
	s4 =	sadd.s32 s6, s4;
	[dreg:$0xb] =	wrdreg s0  }
.Ltmp0:
0x14: {  	s21 =	simm.s32 $0x80;
	s23 =	sadd.s32 $0x6400, s1;
	(pc) =	sbr.rel .LBB2_1-.Ltmp0, $4  }
0x15: {  	s0 =	simm.s32 $0x3;
	s1 =	sadd.s32 $0x10400, s1;
	[dreg:$0x8] =	wrdreg s23  }
0x16: {  	s8 =	simm.s32 $0x7;
	s24 =	sadd.s32 $0x1F400, s4;
	[dreg:$0x9] =	wrdreg s1  }
0x17: {  	s6 =	simm.s32 $0x10;
	s4 =	simm.s32 $0x15;
	[dreg:$0xa] =	wrdreg s24  }
0x18: {  	s23 =	simm.s32 $0x5800;
	s1 =	simm.s32 $0x7800;
	s24 =	simm.s32 $0x4  }
.LBB2_4:
0x19: {  	_ =	swait.ge [sflag:s10], $0x800  }
0x1a: {  	[sflag:s10] =	ssyncset.done $0x0  }
0x1b: {  	[sflag:s10] =	ssyncadd.s32 $0xFFFFF800  }
0x1c: {  	[spmem:s3] =	stream.indirect.scatter.add.f32 [tilespmem:s26], [sflag:$0x10], $0x10, s20, s21, $0xb8;
	[tilespmem:$0xDF00] =	vst v63  }
0x1d: {  	_ =	swait.ge [sflag:s11], $0x800  }
0x1e: {  	[sflag:s11] =	ssyncset.done $0x0  }
0x1f: {  	s12 =	simm.s32 $0xD;
	[sflag:s11] =	ssyncadd.s32 $0xFFFFF800  }
0x20: {  	_ =	swait.ge [sflag:s12], $0x800  }
0x21: {  	[sflag:s12] =	ssyncset.done $0x0  }
0x22: {  	s14 =	simm.s32 $0xE;
	[sflag:s12] =	ssyncadd.s32 $0xFFFFF800  }
0x23: {  	_ =	swait.ge [sflag:s14], $0x800  }
0x24: {  	[sflag:s14] =	ssyncset.done $0x0  }
0x25: {  	s18 =	simm.s32 $0xF;
	[sflag:s14] =	ssyncadd.s32 $0xFFFFF800  }
0x26: {  	_ =	swait.ge [sflag:s18], $0x800  }
0x27: {  	[sflag:s18] =	ssyncset.done $0x0  }
0x28: {  	[sflag:s18] =	ssyncadd.s32 $0xFFFFF800  }
0x29: {  	_ =	swait.ge [sflag:s6], $0x800  }
0x2a: {  	[sflag:s6] =	ssyncset.done $0x0  }
0x2b: {  	[sflag:s6] =	ssyncadd.s32 $0xFFFFF800  }
0x2c: {  	[bflag:$0x0] =	sbarrier.arrive $0xFFFF  }
0x2d: {  	s19 =	rddreg [dreg:$0x5]  }
0x2e: {  	s13 =	rddreg [dreg:$0xa];
	s12 =	sor.u32 $0x1C15, s19  }
0x2f: {  	[hbm:s13], [sflag:s12] =	dma.local [spmem:s15], $0x4F0  }
0x30: {  	_ =	swait.ge [sflag:s4], $0x4F0  }
0x31: {  	s17 =	sadd.s32 $0x1, s17;
	s20 =	rddreg [dreg:$0xb]  }
0x32: {  	p0 =	sne.s32 s17, s20  }
.Ltmp1:
0x33: {  	_ = 	snop;
	(pc) =	sbr.rel @!p0 .LBB2_5-.Ltmp1, $3  }
0x34: {  	_ =	sdelay $0x1  }
0x35: {  	[sflag:s4] =	ssyncset.done $0x0  }
0x36: {  	[sflag:s4] =	ssyncadd.s32 $0xFFFFFB10  }
.LBB2_1:
0x37: {  	s12 =	rddreg [dreg:$0x4]  }
0x38: {  	s13 =	rddreg [dreg:$0x6]  }
0x39: {  	s14 =	rddreg [dreg:$0xc]  }
0x3a: {  	[spmem:s14], [sflag:s13] =	dma.local [hbm:s12], $0x4F0  }
0x3b: {  	s12 =	rddreg [dreg:$0x7]  }
0x3c: {  	s13 =	rddreg [dreg:$0xd]  }
0x3d: {  	[spmem:s15], [sflag:s13] =	dma.local [hbm:s12], $0x4F0  }
0x3e: {  	s12 =	simm.s32 $0x0;
	s13 =	rddreg [dreg:$0x8]  }
0x3f: {  	[tilespmem:s12], [sflag:$0x13] =	stream.linear.gather [hbm4b:s13+s12], $0x2800, $0x38;
	[tilespmem:$0xDF00] =	vst v63  }
0x40: {  	s18 =	simm.s32 $0x2800;
	s19 =	simm.s32 $0x11;
	s14 =	rddreg [dreg:$0x9]  }
0x41: {  	[tilespmem:s18], [sflag:$0x14] =	stream.linear.gather [hbm4b:s14+s12], $0x2800, $0x38;
	[tilespmem:$0xDF00] =	vst v63  }
0x42: {  	_ =	swait.ge [sflag:s19], $0x4F0  }
0x43: {  	[sflag:s19] =	ssyncset.done $0x0  }
0x44: {  	s20 =	simm.s32 $0x12;
	[sflag:s19] =	ssyncadd.s32 $0xFFFFFB10  }
0x45: {  	_ =	swait.ge [sflag:s20], $0x4F0  }
0x46: {  	[sflag:s20] =	ssyncset.done $0x0  }
0x47: {  	s14 =	simm.s32 $0x13;
	[sflag:s20] =	ssyncadd.s32 $0xFFFFFB10  }
0x48: {  	_ =	swait.ge [sflag:s14], $0x2800  }
0x49: {  	[sflag:s14] =	ssyncset.done $0x0  }
0x4a: {  	s18 =	simm.s32 $0x14;
	[sflag:s14] =	ssyncadd.s32 $0xFFFFD800  }
0x4b: {  	_ =	swait.ge [sflag:s18], $0x2800  }
0x4c: {  	[sflag:s18] =	ssyncset.done $0x0  }
0x4d: {  	[sflag:s18] =	ssyncadd.s32 $0xFFFFD800  }
0x4e: {  	[bflag:$0x0] =	sbarrier.arrive $0xFFFF  }
0x4f: {  	[tilespmem:s22], [sflag:$0x1] =	stream.indirect.gather [spmem:s2], $0x10, s12, s21, $0xb8;
	[tilespmem:$0xDF00] =	vst v63  }
0x50: {  	_ = 	snop  }
0x51: {  	[tilespmem:s23], [sflag:$0x2] =	stream.indirect.gather [spmem:s2], $0x10, s21, s21, $0xb8;
	[tilespmem:$0xDF00] =	vst v63  }
0x52: {  	s19 =	simm.s32 $0x100  }
0x53: {  	[tilespmem:s25], [sflag:$0x3] =	stream.indirect.gather [spmem:s2], $0x10, s19, s21, $0xb8;
	[tilespmem:$0xDF00] =	vst v63  }
0x54: {  	s20 =	simm.s32 $0x180;
	s18 =	simm.s32 $0x0  }
0x55: {  	[tilespmem:s28], [sflag:$0x4] =	stream.indirect.gather [spmem:s2], $0x10, s20, s21, $0xb8;
	[tilespmem:$0xDF00] =	vst v63  }
.LBB2_2:
0x56: {  	_ =	swait.ge [sflag:s29], $0x800  }
0x57: {  	s19 =	sshra.s32 s18, $0x2;
	[sflag:s29] =	ssyncset.done $0x0  }
0x58: {  	p0 =	seq.s32 s18, $0x0;
	s20 =	sadd.s32 $0x2800, s19;
	[sflag:s29] =	ssyncadd.s32 $0xFFFFF800  }
0x59: {  	[spmem:s3] =	stream.indirect.scatter.add.f32 [tilespmem:s22], [sflag:$0x9], $0x10, s20, s21, $0xb8;
	[tilespmem:$0xDF00] =	vst v63  }
0x5a: {  	s20 =	simm.s32 @!p0 $0xD  }
0x5b: {  	_ =	swait.ge @!p0 [sflag:s20], $0x800  }
0x5c: {  	[sflag:s20] =	ssyncset.done @!p0 $0x0  }
0x5d: {  	s13 =	sadd.s32 $0x200, s19;
	[sflag:s20] =	ssyncadd.s32 @!p0 $0xFFFFF800  }
0x5e: {  	[tilespmem:s30], [sflag:$0x5] =	stream.indirect.gather [spmem:s2], $0x10, s13, s21, $0xb8;
	[tilespmem:$0xDF00] =	vst v63  }
0x5f: {  	_ =	swait.ge [sflag:s31], $0x800  }
0x60: {  	[sflag:s31] =	ssyncset.done $0x0  }
0x61: {  	s14 =	sadd.s32 $0x2880, s19;
	s20 =	simm.s32 @!p0 $0xE;
	[sflag:s31] =	ssyncadd.s32 $0xFFFFF800  }
0x62: {  	[spmem:s3] =	stream.indirect.scatter.add.f32 [tilespmem:s23], [sflag:$0xA], $0x10, s14, s21, $0xb8;
	[tilespmem:$0xDF00] =	vst v63  }
0x63: {  	_ =	swait.ge @!p0 [sflag:s20], $0x800  }
0x64: {  	[sflag:s20] =	ssyncset.done @!p0 $0x0  }
0x65: {  	s12 =	sadd.s32 $0x280, s19;
	[sflag:s20] =	ssyncadd.s32 @!p0 $0xFFFFF800  }
0x66: {  	[tilespmem:s1], [sflag:$0x6] =	stream.indirect.gather [spmem:s2], $0x10, s12, s21, $0xb8;
	[tilespmem:$0xDF00] =	vst v63  }
0x67: {  	_ =	swait.ge [sflag:s0], $0x800  }
0x68: {  	[sflag:s0] =	ssyncset.done $0x0  }
0x69: {  	s13 =	sadd.s32 $0x2900, s19;
	s20 =	simm.s32 @!p0 $0xF;
	[sflag:s0] =	ssyncadd.s32 $0xFFFFF800  }
0x6a: {  	[spmem:s3] =	stream.indirect.scatter.add.f32 [tilespmem:s25], [sflag:$0xB], $0x10, s13, s21, $0xb8;
	[tilespmem:$0xDF00] =	vst v63  }
0x6b: {  	_ =	swait.ge @!p0 [sflag:s20], $0x800  }
0x6c: {  	[sflag:s20] =	ssyncset.done @!p0 $0x0  }
0x6d: {  	s14 =	sadd.s32 $0x300, s19;
	[sflag:s20] =	ssyncadd.s32 @!p0 $0xFFFFF800  }
0x6e: {  	[tilespmem:s16], [sflag:$0x7] =	stream.indirect.gather [spmem:s2], $0x10, s14, s21, $0xb8;
	[tilespmem:$0xDF00] =	vst v63  }
0x6f: {  	_ =	swait.ge [sflag:s24], $0x800  }
0x70: {  	[sflag:s24] =	ssyncset.done $0x0  }
0x71: {  	s12 =	sadd.s32 $0x2980, s19;
	s20 =	simm.s32 @!p0 $0x10;
	[sflag:s24] =	ssyncadd.s32 $0xFFFFF800  }
0x72: {  	[spmem:s3] =	stream.indirect.scatter.add.f32 [tilespmem:s28], [sflag:$0xC], $0x10, s12, s21, $0xb8;
	[tilespmem:$0xDF00] =	vst v63  }
0x73: {  	_ =	swait.ge @!p0 [sflag:s20], $0x800  }
0x74: {  	[sflag:s20] =	ssyncset.done @!p0 $0x0  }
0x75: {  	s13 =	sadd.s32 $0x380, s19;
	[sflag:s20] =	ssyncadd.s32 @!p0 $0xFFFFF800  }
0x76: {  	[tilespmem:s26], [sflag:$0x8] =	stream.indirect.gather [spmem:s2], $0x10, s13, s21, $0xb8;
	[tilespmem:$0xDF00] =	vst v63  }
0x77: {  	_ =	swait.ge [sflag:s5], $0x800  }
0x78: {  	[sflag:s5] =	ssyncset.done $0x0  }
0x79: {  	s14 =	sadd.s32 $0x2A00, s19;
	[sflag:s5] =	ssyncadd.s32 $0xFFFFF800  }
0x7a: {  	[spmem:s3] =	stream.indirect.scatter.add.f32 [tilespmem:s30], [sflag:$0xD], $0x10, s14, s21, $0xb8;
	[tilespmem:$0xDF00] =	vst v63  }
0x7b: {  	_ =	swait.ge [sflag:s7], $0x800  }
0x7c: {  	p0 =	seq.s32 s18, $0x9000;
	[sflag:s7] =	ssyncset.done $0x0  }
0x7d: {  	s20 =	simm.s32 @p0 $0x6;
	[sflag:s7] =	ssyncadd.s32 $0xFFFFF800  }
0x7e: {  	_ =	swait.ge @p0 [sflag:s20], $0x800  }
0x7f: {  	[sflag:s20] =	ssyncset.done @p0 $0x0  }
0x80: {  	[sflag:s20] =	ssyncadd.s32 @p0 $0xFFFFF800;
	s20 =	sshra.s32 @p0 s18, $0x2  }
0x81: {  	s12 =	simm.s32 @p0 $0x80;
	s13 =	simm.s32 @p0 $0x7800;
	s20 =	sadd.s32 @p0 $0x2A80, s20  }
0x82: {  	[spmem:s3] =	stream.indirect.scatter.add.f32 @p0 [tilespmem:s13], [sflag:$0xE], $0x10, s20, s12, $0xb8;
	[tilespmem:$0xDF00] =	vst v63  }
0x83: {  	s12 =	simm.s32 @p0 $0xA  }
0x84: {  	_ =	swait.ge @p0 [sflag:s12], $0x800  }
0x85: {  	[sflag:s12] =	ssyncset.done @p0 $0x0  }
0x86: {  	[sflag:s12] =	ssyncadd.s32 @p0 $0xFFFFF800;
	s12 =	sshra.s32 @!p0 s18, $0x2  }
0x87: {  	s14 =	simm.s32 @!p0 $0x5000;
	s20 =	simm.s32 @!p0 $0x80;
	s13 =	sadd.s32 @!p0 $0x400, s12  }
0x88: {  	[tilespmem:s14], [sflag:$0x1] =	stream.indirect.gather @!p0 [spmem:s2], $0x10, s13, s20, $0xb8;
	[tilespmem:$0xDF00] =	vst v63  }
0x89: {  	s13 =	simm.s32 @!p0 $0x6  }
0x8a: {  	_ =	swait.ge @!p0 [sflag:s13], $0x800  }
0x8b: {  	[sflag:s13] =	ssyncset.done @!p0 $0x0  }
0x8c: {  	s14 =	simm.s32 @!p0 $0x7800;
	[sflag:s13] =	ssyncadd.s32 @!p0 $0xFFFFF800;
	s13 =	sadd.s32 @!p0 $0x2A80, s12  }
0x8d: {  	[spmem:s3] =	stream.indirect.scatter.add.f32 @!p0 [tilespmem:s14], [sflag:$0xE], $0x10, s13, s20, $0xb8;
	[tilespmem:$0xDF00] =	vst v63  }
0x8e: {  	s13 =	simm.s32 @!p0 $0xA  }
0x8f: {  	_ =	swait.ge @!p0 [sflag:s13], $0x800  }
0x90: {  	[sflag:s13] =	ssyncset.done @!p0 $0x0  }
0x91: {  	s12 =	sadd.s32 @!p0 $0x480, s12;
	[sflag:s13] =	ssyncadd.s32 @!p0 $0xFFFFF800;
	s13 =	simm.s32 @!p0 $0x5800  }
0x92: {  	[tilespmem:s13], [sflag:$0x2] =	stream.indirect.gather @!p0 [spmem:s2], $0x10, s12, s20, $0xb8;
	[tilespmem:$0xDF00] =	vst v63  }
0x93: {  	_ =	swait.ge [sflag:s8], $0x800  }
0x94: {  	[sflag:s8] =	ssyncset.done $0x0  }
.Ltmp2:
0x95: {  	s20 =	sadd.s32 $0x2B00, s19;
	[sflag:s8] =	ssyncadd.s32 $0xFFFFF800;
	(pc) =	sbr.rel @p0 .LBB2_4-.Ltmp2, $4  }
0x96: {  	[spmem:s3] =	stream.indirect.scatter.add.f32 [tilespmem:s16], [sflag:$0xF], $0x10, s20, s21, $0xb8;
	[tilespmem:$0xDF00] =	vst v63  }
0x97: {  	_ =	swait.ge [sflag:s9], $0x800  }
0x98: {  	[sflag:s9] =	ssyncset.done $0x0  }
0x99: {  	s20 =	sadd.s32 $0x2B80, s19;
	[sflag:s9] =	ssyncadd.s32 $0xFFFFF800  }
0x9a: {  	s12 =	sadd.s32 $0x500, s19  }
0x9b: {  	[tilespmem:s25], [sflag:$0x3] =	stream.indirect.gather [spmem:s2], $0x10, s12, s21, $0xb8;
	[tilespmem:$0xDF00] =	vst v63  }
0x9c: {  	_ =	swait.ge [sflag:s10], $0x800  }
0x9d: {  	[sflag:s10] =	ssyncset.done $0x0  }
0x9e: {  	[sflag:s10] =	ssyncadd.s32 $0xFFFFF800  }
0x9f: {  	[spmem:s3] =	stream.indirect.scatter.add.f32 [tilespmem:s26], [sflag:$0x10], $0x10, s20, s21, $0xb8;
	[tilespmem:$0xDF00] =	vst v63  }
.Ltmp3:
0xa0: {  	_ = 	snop;
	(pc) =	sbr.rel .LBB2_2-.Ltmp3, $4  }
0xa1: {  	_ =	swait.ge [sflag:s11], $0x800  }
0xa2: {  	[sflag:s11] =	ssyncset.done $0x0  }
0xa3: {  	s18 =	sadd.s32 $0x1000, s18;
	s20 =	sadd.s32 $0x580, s19;
	[sflag:s11] =	ssyncadd.s32 $0xFFFFF800  }
0xa4: {  	[tilespmem:s28], [sflag:$0x4] =	stream.indirect.gather [spmem:s2], $0x10, s20, s21, $0xb8;
	[tilespmem:$0xDF00] =	vst v63  }
.LBB2_5:
0xa5: {  	_ =	sfence.sel $0x180000  }
0xa6: {  	[bflag:$0x0] =	sbarrier.arrive $0xFFFF  }
0xa7: {  	_ =	strace $0x90000047  }
0xa8: {  	s0 =	stileid.u32;
	[bflag:$0x2] =	sbarrier.arrive $0xFFFF  }
0xa9: {  	p0 =	sne.s32 s0, $0x0;
	s0 =	rddreg [dreg:$0x3]  }
0xaa: {  	s0 =	sadd.s32 @!p0 $0x100000, s0  }
0xab: {  	[sflag:s0] =	ssyncadd.tile.s32 @!p0 $0x1;
	_ =	shalt  }
.Lfunc_end2:
_tile_overlayer_lowered:
.L_overlay_start_2:
0xac: {  	(tag) =	ssettag $0x2  }
0xad: {  	s0 =	rddreg [dreg:$0x0];
	s2 =	stileid.u32  }
0xae: {  	s1 =	rddreg [dreg:$0x1];
	p0 =	sne.s32 s2, $0x0  }
0xaf: {  	s3 =	rddreg [dreg:$0x2];
	[bflag:$0x3] =	sbarrier.arrive $0xFFFF;
	s2 =	simm.s32 @!p0 $0x1C15  }
0xb0: {  	[timem:s3], [sflag:s2] =	dma.local @!p0 [hbm:s0], s1  }
0xb1: {  	s0 =	simm.s32 @!p0 $0x15  }
0xb2: {  	_ =	swait.ge @!p0 [sflag:s0], s1  }
0xb3: {  	s1 =	ssub.s32 @!p0 $0x0, s1;
	[sflag:s0] =	ssyncset.done @!p0 $0x0  }
0xb4: {  	[sflag:s0] =	ssyncadd.s32 @!p0 s1  }
0xb5: {  	[bflag:$0x3] =	sbarrier.arrive $0xFFFF  }
0xb6: {  	_ =	shalt  }

// kernel: kernel.9.cloned.1.call-start
scs
__scs_entry_jumppad:
0x0: {  	(pc) =	sbr.rel $0x88, $3  }
0x1: {  	(tag) =	ssettag $0x0;
	lr =	simm.s32 $0x1  }
0x2: {  	[smem:$0x3F95] =	sst lr;
	_ =	strace $0xD0000000  }
0x3: {  	_ = 	snop  }
0x4: {  	_ = 	snop  }
0x5: {  	_ = 	snop  }
0x6: {  	_ = 	snop  }
0x7: {  	_ = 	snop  }
__scs_overlays_trampoline_lowered:
0x8: {  	[smem:$0x3FA4] =	sst s0  }
0x9: {  	[smem:$0x3FA5] =	sst s1  }
0xa: {  	[smem:$0x3FA6] =	sst s2  }
0xb: {  	[smem:$0x3FA7] =	sst s3  }
0xc: {  	[smem:$0x3FA8] =	sst s4  }
0xd: {  	[smem:$0x3FA9] =	sst s5  }
0xe: {  	[smem:$0x3FAA] =	sst s6  }
0xf: {  	[smem:$0x3FAB] =	sst s7  }
0x10: {  	[smem:$0x3FAC] =	sst s8  }
0x11: {  	[smem:$0x3FAD] =	sst s9;
	s0 =	simm.s32 @!p0 $0x0  }
0x12: {  	s1 =	sld [smem:$0x3F93];
	s0 =	simm.s32 @p0 $0x1  }
0x13: {  	[smem:$0x3FAE] =	sst s0;
	s0 =	simm.s32 @!p1 $0x0  }
0x14: {  	s2 =	sld [smem:$0x3F92];
	s0 =	simm.s32 @p1 $0x1  }
0x15: {  	[smem:$0x3FAF] =	sst s0;
	s0 =	simm.s32 @!p2 $0x0  }
0x16: {  	s3 =	sld [smem:$0x3FDB];
	s0 =	simm.s32 @p2 $0x1  }
0x17: {  	s4 =	simm.s32 $0x1BF5;
	[smem:$0x3FB1] =	sst s0  }
0x18: {  	s0 =	sld [smem:$0x3F94];
	_ =	swait.ge [sflag:s4], $0x0  }
0x19: {  	s7 =	sld [smem:$0x3F95]  }
0x1a: {  	s8 =	sadd.s32 $0xFFFFE003, lr  }
0x1b: {  	s9 =	sadd.s32 $0xFFFFFEF7, lr;
	s5 =	simm.s32 $0xFFFFFFFF;
	p2 =	slt.u32 s8, $0xFFFFF086  }
0x1c: {  	p1 =	slt.u32 s9, $0xF7A;
	s5 =	simm.s32 @!p2 $0x0  }
0x1d: {  	s5 =	simm.s32 @p1 $0x1;
	p0 =	seq.s32 s7, s2  }
0x1e: {  	s7 =	smul.u32 @!p0 $0xF7A, s2;
	p2 =	seq.s32 @!p0 s5, $0x0  }
0x1f: {  	s9 =	smul.u32 $0xF7A, s1;
	s8 =	simm.s32 @!p0 $0x1BF5;
	p2 =	por !p2, p0  }
0x20: {  	[sflag:s8] =	ssyncset.s32 @!p0 $0xFFFFF086;
	s6 =	sadd.s32 @!p0 s3, s7;
	s7 =	simm.s32 @!p0 $0x108  }
0x21: {  	s3 =	sadd.s32 s3, s9;
	s6 =	sadd.s32 @!p0 $0x88, s6;
	s7 =	simm.s32 @p2 $0x1082  }
0x22: {  	[simem:s7], [sflag:s8] =	dma.local @!p0 [hbm:s6], $0xF7A  }
0x23: {  	s9 =	sor.u32 $0xD0000000, s2;
	s6 =	simm.s32 $0x108;
	_ =	swait.ge @!p0 [sflag:s8], $0x0  }
0x24: {  	s3 =	sadd.s32 $0x88, s3;
	s6 =	simm.s32 @!p1 $0x1082;
	[sflag:s4] =	ssyncset.s32 $0xFFFFF086  }
0x25: {  	[simem:s6], [sflag:s4] =	dma.local [hbm:s3], $0xF7A  }
0x26: {  	[smem:$0x3F95] =	sst s1;
	(tag) =	ssettag s2;
	_ =	strace s9  }
0x27: {  	s1 =	sld [smem:$0x3FA5]  }
0x28: {  	s2 =	sld [smem:$0x3FA6]  }
0x29: {  	s4 =	sld [smem:$0x3FA8]  }
0x2a: {  	p0 =	seq.s32 s5, $0x0;
	s5 =	sld [smem:$0x3FA9]  }
0x2b: {  	s6 =	sld [smem:$0x3FAA]  }
0x2c: {  	s7 =	sld [smem:$0x3FAB]  }
0x2d: {  	s3 =	simm.s32 $0x108;
	s8 =	sld [smem:$0x3FAC]  }
0x2e: {  	s3 =	simm.s32 @!p0 $0x1082;
	s9 =	sld [smem:$0x3FAD]  }
0x2f: {  	lr =	sadd.s32 s0, s3;
	s0 =	sld [smem:$0x3FA4]  }
0x30: {  	s3 =	sld [smem:$0x3FA7]  }
0x31: {  	[smem:$0x3FB0] =	sst s10  }
0x32: {  	s10 =	sld [smem:$0x3FAE];
	_ =	sdelay $0x3  }
0x33: {  	p0 =	seq.s32 s10, $0x1;
	s10 =	sld [smem:$0x3FB0];
	_ =	sdelay $0x3  }
0x34: {  	[smem:$0x3FB0] =	sst s10  }
0x35: {  	s10 =	sld [smem:$0x3FAF];
	_ =	sdelay $0x3  }
0x36: {  	p1 =	seq.s32 s10, $0x1;
	s10 =	sld [smem:$0x3FB0];
	_ =	sdelay $0x3  }
0x37: {  	[smem:$0x3FB0] =	sst s10  }
0x38: {  	s10 =	sld [smem:$0x3FB1]  }
0x39: {  	_ = 	snop;
	(pc) =	sbr.ind lr, $3  }
0x3a: {  	_ = 	snop  }
0x3b: {  	_ = 	snop  }
0x3c: {  	p2 =	seq.s32 s10, $0x1;
	s10 =	sld [smem:$0x3FB0]  }
0x3d: {  	_ =	shalt  }
0x3e: {  	_ =	shalt  }
0x3f: {  	_ =	shalt  }
0x40: {  	_ =	shalt  }
0x41: {  	_ =	shalt  }
0x42: {  	_ =	shalt  }
0x43: {  	_ =	shalt  }
0x44: {  	_ =	shalt  }
0x45: {  	_ =	shalt  }
0x46: {  	_ =	shalt  }
0x47: {  	_ =	shalt  }
0x48: {  	_ =	shalt  }
0x49: {  	_ =	shalt  }
0x4a: {  	_ =	shalt  }
0x4b: {  	_ =	shalt  }
0x4c: {  	_ =	shalt  }
0x4d: {  	_ =	shalt  }
0x4e: {  	_ =	shalt  }
0x4f: {  	_ =	shalt  }
0x50: {  	_ =	shalt  }
0x51: {  	_ =	shalt  }
0x52: {  	_ =	shalt  }
0x53: {  	_ =	shalt  }
0x54: {  	_ =	shalt  }
0x55: {  	_ =	shalt  }
0x56: {  	_ =	shalt  }
0x57: {  	_ =	shalt  }
0x58: {  	_ =	shalt  }
0x59: {  	_ =	shalt  }
0x5a: {  	_ =	shalt  }
0x5b: {  	_ =	shalt  }
0x5c: {  	_ =	shalt  }
0x5d: {  	_ =	shalt  }
0x5e: {  	_ =	shalt  }
0x5f: {  	_ =	shalt  }
0x60: {  	_ =	shalt  }
0x61: {  	_ =	shalt  }
0x62: {  	_ =	shalt  }
0x63: {  	_ =	shalt  }
0x64: {  	_ =	shalt  }
0x65: {  	_ =	shalt  }
0x66: {  	_ =	shalt  }
0x67: {  	_ =	shalt  }
0x68: {  	_ =	shalt  }
0x69: {  	_ =	shalt  }
0x6a: {  	_ =	shalt  }
0x6b: {  	_ =	shalt  }
0x6c: {  	_ =	shalt  }
0x6d: {  	_ =	shalt  }
0x6e: {  	_ =	shalt  }
0x6f: {  	_ =	shalt  }
0x70: {  	_ =	shalt  }
0x71: {  	_ =	shalt  }
0x72: {  	_ =	shalt  }
0x73: {  	_ =	shalt  }
0x74: {  	_ =	shalt  }
0x75: {  	_ =	shalt  }
0x76: {  	_ =	shalt  }
0x77: {  	_ =	shalt  }
0x78: {  	_ =	shalt  }
0x79: {  	_ =	shalt  }
0x7a: {  	_ =	shalt  }
0x7b: {  	_ =	shalt  }
0x7c: {  	_ =	shalt  }
0x7d: {  	_ =	shalt  }
0x7e: {  	_ =	shalt  }
0x7f: {  	_ =	shalt  }
0x80: {  	_ =	shalt  }
0x81: {  	_ =	shalt  }
0x82: {  	_ =	shalt  }
0x83: {  	_ =	shalt  }
0x84: {  	_ =	shalt  }
0x85: {  	_ =	shalt  }
0x86: {  	_ =	shalt  }
0x87: {  	_ =	shalt  }
.Lfunc_end0:
.L_simem_size_0:
called_computation.1_lowered:
.L_overlay_start_0:
0x88: {  	s2 =	sld [smem:$0x3FD9]  }
0x89: {  	s3 =	sld [smem:$0x3FFE];
	_ =	sdelay $0x1  }
0x8a: {  	s1 =	srdreg.scid  }
0x8b: {  	s0 =	sand.u32 $0x1, s1  }
0x8c: {  	s16 =	sshll.u32 s0, $0xA;
	s2 =	sadd.s32 s3, s2  }
0x8d: {  	s2 =	sadd.s32 s2, s16  }
0x8e: {  	[smem:$0x3FBC] =	sst s2  }
0x8f: {  	_ = 	snop  }
0x90: {  	(tm) =	ssettm $0x1  }
0x91: {  	s17 =	sld [smem:$0x3FFB];
	_ =	sdelay $0x3  }
0x92: {  	_ =	strace s17  }
0x93: {  	s2 =	sld [smem:$0x3FFC];
	_ =	sdelay $0x3  }
0x94: {  	_ =	strace s2  }
0x95: {  	s2 =	sld [smem:$0x3FFD];
	_ =	sdelay $0x3  }
0x96: {  	_ =	strace s2  }
0x97: {  	_ =	strace $0x8FFFFFFF  }
0x98: {  	s18 =	sld [smem:$0x3FDB];
	_ =	sdelay $0x1  }
0x99: {  	s19 =	simm.s32 $_scs_section_size  }
0x9a: {  	s4 =	simm.s32 $_size__tile_overlayer_lowered;
	s5 =	simm.s32 $_tile_overlayer_lowered  }
0x9b: {  	s22 =	simm.s32 $0x1BFF;
	s21 =	sshll.u32 s5, $0x1;
	s2 =	sadd.s32 s19, s18  }
0x9c: {  	s6 =	simm.s32 $0x0;
	s20 =	sshll.u32 s4, $0x1;
	s4 =	sadd.s32 s21, s2  }
0x9d: {  	[timem:s6], [sflag:s22] =	dma.local [hbm:s4], s20  }
0x9e: {  	_ =	swait.ge [sflag:s22], s20  }
0x9f: {  	s3 =	ssub.s32 $0x0, s20;
	[sflag:s22] =	ssyncset.done $0x0  }
0xa0: {  	[sflag:s22] =	ssyncadd.s32 s3;
	_ =	sdelay $0x1  }
0xa1: {  	s23 =	simm.s32 $0x1B8B  }
0xa2: {  	_ =	swait.ge [sflag:s23], $0x1  }
0xa3: {  	[sflag:s23] =	ssyncset.done $0x0  }
0xa4: {  	s25 =	simm.s32 $0x1B8E;
	s24 =	sld [smem:$0x3FFE];
	[sflag:s23] =	ssyncadd.s32 $0xFFFFFFFF  }
0xa5: {  	s26 =	simm.s32 $execute0_lowered;
	[smem:$0x3FD2] =	sst s25  }
0xa6: {  	s4 =	sshll.u32 s26, $0x1;
	_ =	strace $0x80000049;
	[dreg:$0x1] =	wrdreg $0xFFFFFFFF  }
0xa7: {  	s28 =	simm.s32 $_size_execute0_lowered;
	s2 =	sadd.s32 s2, s4;
	[dreg:$0x0] =	wrdreg $0x0  }
0xa8: {  	s4 =	sshll.u32 s28, $0x1;
	[dreg:$0x2] =	wrdreg s2  }
0xa9: {  	[dreg:$0x3] =	wrdreg s4  }
0xaa: {  	[dreg:$0x4] =	wrdreg $0xC0  }
0xab: {  	_ =	task [dreg:s6], $0x5FFFF  }
0xac: {  	[dreg:$0x1] =	wrdreg $0xFFFFFFFF  }
0xad: {  	[dreg:$0x0] =	wrdreg $0x60  }
0xae: {  	[dreg:$0x2] =	wrdreg s24  }
0xaf: {  	[dreg:$0x3] =	wrdreg $0xDF000  }
0xb0: {  	[dreg:$0x4] =	wrdreg $0x106800  }
0xb1: {  	[dreg:$0x5] =	wrdreg $0x9  }
0xb2: {  	_ =	task.clear_ibuf [dreg:s6], $0x6FFFF;
	_ =	strace $0x90000049  }
0xb3: {  	s29 =	simm.s32 $0x9;
	_ =	strace $0x8000004B  }
0xb4: {  	_ =	swait.ge [sflag:s29], $0x1  }
0xb5: {  	[sflag:s29] =	ssyncadd.s32 $0xFFFFFFFF  }
0xb6: {  	_ =	strace $0x9000004B  }
0xb7: {  	_ =	sfence  }
0xb8: {  	s30 =	sld [smem:$0x0];
	_ =	sdelay $0x2  }
0xb9: {  	s31 =	sshll.u32 s1, $0xD;
	s1 =	sshrl.u32 s1, $0x2  }
0xba: {  	s3 =	sand.u32 $0x4000, s31;
	s1 =	sadd.s32 s1, s30  }
0xbb: {  	s0 =	sor.u32 s3, s0;
	s1 =	sshll.u32 s1, $0x11  }
0xbc: {  	s0 =	sor.u32 s1, s0  }
0xbd: {  	s0 =	sadd.s32 $0x8F2B, s0  }
0xbe: {  	[sflag:s0] =	ssyncadd.remote.s32 $0x1  }
0xbf: {  	_ =	sfence.sel $0xFFFF  }
0xc0: {  	[dreg:$0x0] =	wrdreg $0xFFFFFFFF;
	(pc) =	sbr.abs _section_cstart, $3  }
0xc1: {  	[dreg:$0x1] =	wrdreg $0xFFFFFFFF  }
0xc2: {  	_ =	task.clear_ibuf [dreg:s6], $0x2FFFF;
	_ =	strace $0x9FFFFFFF  }
0xc3: {  	(tm) =	ssettm $0x7FFFFFFF  }
tec
execute0_lowered:
.L_overlay_start_1:
0x0: {  	(tag) =	ssettag $0x1  }
0x1: {  	s5 =	rddreg [dreg:$0x0]  }
0x2: {  	s0 =	srdreg.scid;
	s2 =	rddreg [dreg:$0x1]  }
0x3: {  	s10 =	stileid.u32;
	s3 =	rddreg [dreg:$0x2]  }
0x4: {  	s4 =	simm.s32 $0x0;
	s28 =	simm.s32 $0x5800;
	s30 =	simm.s32 $0x6000  }
0x5: {  	s16 =	simm.s32 $0x7000;
	s29 =	simm.s32 $0x7800;
	s31 =	simm.s32 $0x3  }
0x6: {  	s15 =	simm.s32 $0x7;
	s11 =	simm.s32 $0xB;
	s12 =	simm.s32 $0x8  }
0x7: {  	s13 =	simm.s32 $0xC;
	s0 =	sand.u32 $0x1, s0;
	s6 =	smul.u32 $0x2780, s10  }
0x8: {  	s7 =	smul.u32 $0x4F0, s10;
	[smem:$0x7FF] =	sst s4;
	s23 =	sshll.u32 s10, $0x6  }
0x9: {  	s1 =	sshll.u32 s0, $0x4;
	s8 =	smul.u32 $0x4F00, s0;
	_ =	strace $0x8000004A  }
0xa: {  	s0 =	ssub.s32 $0x2, s0;
	[dreg:$0x7] =	wrdreg s23;
	s1 =	sor.u32 s10, s1  }
0xb: {  	s9 =	sshrl.u32 s6, $0x3;
	s19 =	sshrl.u32 s0, $0x1;
	s22 =	sadd.s32 s6, s2  }
0xc: {  	s25 =	sadd.s32 s6, s3;
	s6 =	simm.s32 $0x4;
	s10 =	simm.s32 $0x9  }
0xd: {  	s1 =	smul.u32 $0x500, s1;
	s7 =	sadd.s32 s7, s8;
	s18 =	sadd.s32 s9, s5  }
0xe: {  	s0 =	ssub.s32 s0, s19;
	[dreg:$0xb] =	wrdreg s25;
	s19 =	simm.s32 $0x9000  }
0xf: {  	s17 =	sshrl.u32 s22, $0x3;
	s25 =	simm.s32 $0x80;
	s9 =	simm.s32 $0x5  }
0x10: {  	s22 =	simm.s32 $0x0;
	s20 =	sadd.s32 $0x1F400, s18;
	s21 =	sadd.s32 $0x24300, s18  }
0x11: {  	s8 =	sadd.s32 $0x1A400, s18;
	s0 =	smax.u32 s0, $0x1;
	[dreg:$0x4] =	wrdreg s20  }
0x12: {  	s18 =	simm.s32 $0x2;
	s1 =	sadd.s32 s1, s5;
	[dreg:$0x5] =	wrdreg s21  }
0x13: {  	s5 =	sadd.s32 s7, s5;
	[dreg:$0x6] =	wrdreg s8;
	s8 =	sor.u32 $0x1C13, s23  }
.Ltmp0:
0x14: {  	[dreg:$0xd] =	wrdreg s0;
	s21 =	simm.s32 $0x16;
	(pc) =	sbr.rel .LBB2_1-.Ltmp0, $4  }
0x15: {  	s0 =	simm.s32 $0x1;
	[dreg:$0x8] =	wrdreg s8;
	s24 =	sadd.s32 $0x6400, s1  }
0x16: {  	s7 =	simm.s32 $0x8800;
	s1 =	sadd.s32 $0x10400, s1;
	[dreg:$0x9] =	wrdreg s24  }
0x17: {  	s26 =	sadd.s32 $0x29200, s5;
	s5 =	simm.s32 $0x8000;
	[dreg:$0xa] =	wrdreg s1  }
0x18: {  	[dreg:$0xc] =	wrdreg s26;
	s26 =	simm.s32 $0x5000;
	s1 =	simm.s32 $0x6800  }
.LBB2_6:
0x19: {  	_ =	swait.ge [sflag:s12], $0x800  }
0x1a: {  	[sflag:s12] =	ssyncset.done $0x0  }
0x1b: {  	[sflag:s12] =	ssyncadd.s32 $0xFFFFF800  }
0x1c: {  	[spmem:s2] =	stream.indirect.scatter.add.f32 [tilespmem:s7], [sflag:$0x10], $0x10, s14, s25, $0xb8;
	[tilespmem:$0x12E00] =	vst v63  }
0x1d: {  	_ =	swait.ge [sflag:s13], $0x800  }
0x1e: {  	[sflag:s13] =	ssyncset.done $0x0  }
0x1f: {  	s8 =	simm.s32 $0xD;
	[sflag:s13] =	ssyncadd.s32 $0xFFFFF800  }
0x20: {  	_ =	swait.ge [sflag:s8], $0x800  }
0x21: {  	[sflag:s8] =	ssyncset.done $0x0  }
0x22: {  	s24 =	simm.s32 $0xE;
	[sflag:s8] =	ssyncadd.s32 $0xFFFFF800  }
0x23: {  	_ =	swait.ge [sflag:s24], $0x800  }
0x24: {  	[sflag:s24] =	ssyncset.done $0x0  }
0x25: {  	s14 =	simm.s32 $0xF;
	[sflag:s24] =	ssyncadd.s32 $0xFFFFF800  }
0x26: {  	_ =	swait.ge [sflag:s14], $0x800  }
0x27: {  	[sflag:s14] =	ssyncset.done $0x0  }
0x28: {  	s19 =	simm.s32 $0x10;
	[sflag:s14] =	ssyncadd.s32 $0xFFFFF800  }
0x29: {  	_ =	swait.ge [sflag:s19], $0x800  }
0x2a: {  	[sflag:s19] =	ssyncset.done $0x0  }
0x2b: {  	[sflag:s19] =	ssyncadd.s32 $0xFFFFF800  }
0x2c: {  	[bflag:$0x0] =	sbarrier.arrive $0xFFFF  }
0x2d: {  	s20 =	rddreg [dreg:$0x7]  }
0x2e: {  	s23 =	rddreg [dreg:$0xc];
	s8 =	sor.u32 $0x1C16, s20  }
0x2f: {  	[hbm:s23], [sflag:s8] =	dma.local [spmem:s17], $0x4F0  }
0x30: {  	_ =	swait.ge [sflag:s21], $0x4F0  }
0x31: {  	s22 =	sadd.s32 $0x1, s22;
	s24 =	rddreg [dreg:$0xd]  }
0x32: {  	p0 =	sne.s32 s22, s24  }
.Ltmp1:
0x33: {  	_ = 	snop;
	(pc) =	sbr.rel @!p0 .LBB2_7-.Ltmp1, $3  }
0x34: {  	_ =	sdelay $0x1  }
0x35: {  	[sflag:s21] =	ssyncset.done $0x0  }
0x36: {  	s19 =	simm.s32 $0x9000;
	[sflag:s21] =	ssyncadd.s32 $0xFFFFFB10  }
.LBB2_1:
0x37: {  	s8 =	rddreg [dreg:$0x4]  }
0x38: {  	s20 =	rddreg [dreg:$0x5]  }
0x39: {  	s23 =	rddreg [dreg:$0x6]  }
0x3a: {  	[tilespmem:s19], [sflag:$0x11] =	stream.linear.gather [hbm4b:s8+s4], $0x2780, $0x38;
	[tilespmem:$0x12E00] =	vst v63  }
0x3b: {  	s14 =	simm.s32 $0xB780;
	s24 =	rddreg [dreg:$0x8]  }
0x3c: {  	[tilespmem:s14], [sflag:$0x12] =	stream.linear.gather [hbm4b:s20+s4], $0x2780, $0x38;
	[tilespmem:$0x12E00] =	vst v63  }
0x3d: {  	[spmem:s17], [sflag:s24] =	dma.local [hbm:s23], $0x4F0  }
0x3e: {  	s8 =	rddreg [dreg:$0x9]  }
0x3f: {  	[tilespmem:s4], [sflag:$0x14] =	stream.linear.gather [hbm4b:s8+s4], $0x2800, $0x38;
	[tilespmem:$0x12E00] =	vst v63  }
0x40: {  	s20 =	simm.s32 $0x2800;
	s23 =	simm.s32 $0x11;
	s14 =	rddreg [dreg:$0xa]  }
0x41: {  	[tilespmem:s20], [sflag:$0x15] =	stream.linear.gather [hbm4b:s14+s4], $0x2800, $0x38;
	[tilespmem:$0x12E00] =	vst v63  }
0x42: {  	_ =	swait.ge [sflag:s23], $0x2780  }
0x43: {  	[sflag:s23] =	ssyncset.done $0x0  }
0x44: {  	s24 =	simm.s32 $0x12;
	[sflag:s23] =	ssyncadd.s32 $0xFFFFD880  }
0x45: {  	_ =	swait.ge [sflag:s24], $0x2780  }
0x46: {  	[sflag:s24] =	ssyncset.done $0x0  }
0x47: {  	s23 =	simm.s32 $0x0;
	[sflag:s24] =	ssyncadd.s32 $0xFFFFD880  }
0x48: {  	s24 =	simm.s32 $0x40;
	v0 =	vld [tilespmem:s23+$0xB780]  }
.LBB2_2:
0x49: {  	p0 =	sne.s32 s24, $0x9DC0;
	v1 =	vld [tilespmem:s23+$0x9000];
	_ =	sdelay $0x4  }
0x4a: {  	v0 =	vadd.f32 v0, v1  }
.Ltmp2:
0x4b: {  	(pc) =	sbr.rel @p0 .LBB2_2-.Ltmp2, $4  }
0x4c: {  	v1 =	vmul.f32 $9.999999770e-03, v0  }
0x4d: {  	vm0 =	vge.f32 v0, $0.0e+00  }
0x4e: {  	s14 =	sshra.s32 s24, $0x2;
	v1 =	vsel vm0, v0, v1  }
0x4f: {  	s24 =	sadd.s32 $0x40, s24;
	v0 =	vld [tilespmem:s14+$0xB780];
	[tilespmem:s23+$0x9000] =	vst v1;
	s23 =	smov.u32 s14  }
0x50: {  	v1 =	vld [tilespmem:s23+$0x9000];
	_ =	sdelay $0x4  }
0x51: {  	v0 =	vadd.f32 v0, v1;
	_ =	sdelay $0x1  }
0x52: {  	v1 =	vmul.f32 $9.999999770e-03, v0  }
0x53: {  	vm0 =	vge.f32 v0, $0.0e+00  }
0x54: {  	v0 =	vsel vm0, v0, v1  }
0x55: {  	s8 =	rddreg [dreg:$0xb];
	[tilespmem:s23+$0x9000] =	vst v0  }
0x56: {  	[spmem:s8] =	stream.linear.scatter [tilespmem:s19], [sflag:$0x16], $0x2780, $0x38;
	[tilespmem:$0x12E00] =	vst v63  }
0x57: {  	_ =	swait.ge [sflag:s21], $0x2780  }
0x58: {  	[sflag:s21] =	ssyncset.done $0x0  }
0x59: {  	s24 =	simm.s32 $0x13;
	[sflag:s21] =	ssyncadd.s32 $0xFFFFD880  }
0x5a: {  	_ =	swait.ge [sflag:s24], $0x4F0  }
0x5b: {  	[sflag:s24] =	ssyncset.done $0x0  }
0x5c: {  	s14 =	simm.s32 $0x14;
	[sflag:s24] =	ssyncadd.s32 $0xFFFFFB10  }
0x5d: {  	_ =	swait.ge [sflag:s14], $0x2800  }
0x5e: {  	[sflag:s14] =	ssyncset.done $0x0  }
0x5f: {  	s19 =	simm.s32 $0x15;
	[sflag:s14] =	ssyncadd.s32 $0xFFFFD800  }
0x60: {  	_ =	swait.ge [sflag:s19], $0x2800  }
0x61: {  	[sflag:s19] =	ssyncset.done $0x0  }
0x62: {  	[sflag:s19] =	ssyncadd.s32 $0xFFFFD800  }
0x63: {  	s23 =	simm.s32 $0x0;
	[bflag:$0x0] =	sbarrier.arrive $0xFFFF  }
0x64: {  	[tilespmem:s26], [sflag:$0x1] =	stream.indirect.gather [spmem:s3], $0x10, s23, s25, $0xb8;
	[tilespmem:$0x12E00] =	vst v63  }
0x65: {  	_ = 	snop  }
0x66: {  	[tilespmem:s28], [sflag:$0x2] =	stream.indirect.gather [spmem:s3], $0x10, s25, s25, $0xb8;
	[tilespmem:$0x12E00] =	vst v63  }
0x67: {  	s20 =	simm.s32 $0x100  }
0x68: {  	[tilespmem:s30], [sflag:$0x3] =	stream.indirect.gather [spmem:s3], $0x10, s20, s25, $0xb8;
	[tilespmem:$0x12E00] =	vst v63  }
0x69: {  	s24 =	simm.s32 $0x180  }
0x6a: {  	[tilespmem:s1], [sflag:$0x4] =	stream.indirect.gather [spmem:s3], $0x10, s24, s25, $0xb8;
	[tilespmem:$0x12E00] =	vst v63  }
.LBB2_4:
0x6b: {  	_ =	swait.ge [sflag:s0], $0x800  }
0x6c: {  	s24 =	sshra.s32 s23, $0x2;
	[sflag:s0] =	ssyncset.done $0x0  }
0x6d: {  	p0 =	seq.s32 s23, $0x0;
	s14 =	sadd.s32 $0x2800, s24;
	[sflag:s0] =	ssyncadd.s32 $0xFFFFF800  }
0x6e: {  	[spmem:s2] =	stream.indirect.scatter.add.f32 [tilespmem:s26], [sflag:$0x9], $0x10, s14, s25, $0xb8;
	[tilespmem:$0x12E00] =	vst v63  }
0x6f: {  	s14 =	simm.s32 @!p0 $0xD  }
0x70: {  	_ =	swait.ge @!p0 [sflag:s14], $0x800  }
0x71: {  	[sflag:s14] =	ssyncset.done @!p0 $0x0  }
0x72: {  	s8 =	sadd.s32 $0x200, s24;
	[sflag:s14] =	ssyncadd.s32 @!p0 $0xFFFFF800  }
0x73: {  	[tilespmem:s16], [sflag:$0x5] =	stream.indirect.gather [spmem:s3], $0x10, s8, s25, $0xb8;
	[tilespmem:$0x12E00] =	vst v63  }
0x74: {  	_ =	swait.ge [sflag:s18], $0x800  }
0x75: {  	[sflag:s18] =	ssyncset.done $0x0  }
0x76: {  	s19 =	sadd.s32 $0x2880, s24;
	s14 =	simm.s32 @!p0 $0xE;
	[sflag:s18] =	ssyncadd.s32 $0xFFFFF800  }
0x77: {  	[spmem:s2] =	stream.indirect.scatter.add.f32 [tilespmem:s28], [sflag:$0xA], $0x10, s19, s25, $0xb8;
	[tilespmem:$0x12E00] =	vst v63  }
0x78: {  	_ =	swait.ge @!p0 [sflag:s14], $0x800  }
0x79: {  	[sflag:s14] =	ssyncset.done @!p0 $0x0  }
0x7a: {  	s20 =	sadd.s32 $0x280, s24;
	[sflag:s14] =	ssyncadd.s32 @!p0 $0xFFFFF800  }
0x7b: {  	[tilespmem:s29], [sflag:$0x6] =	stream.indirect.gather [spmem:s3], $0x10, s20, s25, $0xb8;
	[tilespmem:$0x12E00] =	vst v63  }
0x7c: {  	_ =	swait.ge [sflag:s31], $0x800  }
0x7d: {  	[sflag:s31] =	ssyncset.done $0x0  }
0x7e: {  	s8 =	sadd.s32 $0x2900, s24;
	s14 =	simm.s32 @!p0 $0xF;
	[sflag:s31] =	ssyncadd.s32 $0xFFFFF800  }
0x7f: {  	[spmem:s2] =	stream.indirect.scatter.add.f32 [tilespmem:s30], [sflag:$0xB], $0x10, s8, s25, $0xb8;
	[tilespmem:$0x12E00] =	vst v63  }
0x80: {  	_ =	swait.ge @!p0 [sflag:s14], $0x800  }
0x81: {  	[sflag:s14] =	ssyncset.done @!p0 $0x0  }
0x82: {  	s19 =	sadd.s32 $0x300, s24;
	[sflag:s14] =	ssyncadd.s32 @!p0 $0xFFFFF800  }
0x83: {  	[tilespmem:s5], [sflag:$0x7] =	stream.indirect.gather [spmem:s3], $0x10, s19, s25, $0xb8;
	[tilespmem:$0x12E00] =	vst v63  }
0x84: {  	_ =	swait.ge [sflag:s6], $0x800  }
0x85: {  	[sflag:s6] =	ssyncset.done $0x0  }
0x86: {  	s20 =	sadd.s32 $0x2980, s24;
	s14 =	simm.s32 @!p0 $0x10;
	[sflag:s6] =	ssyncadd.s32 $0xFFFFF800  }
0x87: {  	[spmem:s2] =	stream.indirect.scatter.add.f32 [tilespmem:s1], [sflag:$0xC], $0x10, s20, s25, $0xb8;
	[tilespmem:$0x12E00] =	vst v63  }
0x88: {  	_ =	swait.ge @!p0 [sflag:s14], $0x800  }
0x89: {  	[sflag:s14] =	ssyncset.done @!p0 $0x0  }
0x8a: {  	s8 =	sadd.s32 $0x380, s24;
	[sflag:s14] =	ssyncadd.s32 @!p0 $0xFFFFF800  }
0x8b: {  	[tilespmem:s7], [sflag:$0x8] =	stream.indirect.gather [spmem:s3], $0x10, s8, s25, $0xb8;
	[tilespmem:$0x12E00] =	vst v63  }
0x8c: {  	_ =	swait.ge [sflag:s9], $0x800  }
0x8d: {  	[sflag:s9] =	ssyncset.done $0x0  }
0x8e: {  	s19 =	sadd.s32 $0x2A00, s24;
	[sflag:s9] =	ssyncadd.s32 $0xFFFFF800  }
0x8f: {  	[spmem:s2] =	stream.indirect.scatter.add.f32 [tilespmem:s16], [sflag:$0xD], $0x10, s19, s25, $0xb8;
	[tilespmem:$0x12E00] =	vst v63  }
0x90: {  	_ =	swait.ge [sflag:s10], $0x800  }
0x91: {  	p0 =	seq.s32 s23, $0x9000;
	[sflag:s10] =	ssyncset.done $0x0  }
0x92: {  	s14 =	simm.s32 @p0 $0x6;
	[sflag:s10] =	ssyncadd.s32 $0xFFFFF800  }
0x93: {  	_ =	swait.ge @p0 [sflag:s14], $0x800  }
0x94: {  	[sflag:s14] =	ssyncset.done @p0 $0x0  }
0x95: {  	[sflag:s14] =	ssyncadd.s32 @p0 $0xFFFFF800;
	s14 =	sshra.s32 @p0 s23, $0x2  }
0x96: {  	s8 =	simm.s32 @p0 $0x80;
	s19 =	simm.s32 @p0 $0x7800;
	s14 =	sadd.s32 @p0 $0x2A80, s14  }
0x97: {  	[spmem:s2] =	stream.indirect.scatter.add.f32 @p0 [tilespmem:s19], [sflag:$0xE], $0x10, s14, s8, $0xb8;
	[tilespmem:$0x12E00] =	vst v63  }
0x98: {  	s8 =	simm.s32 @p0 $0xA  }
0x99: {  	_ =	swait.ge @p0 [sflag:s8], $0x800  }
0x9a: {  	[sflag:s8] =	ssyncset.done @p0 $0x0  }
0x9b: {  	[sflag:s8] =	ssyncadd.s32 @p0 $0xFFFFF800;
	s8 =	sshra.s32 @!p0 s23, $0x2  }
0x9c: {  	s20 =	simm.s32 @!p0 $0x5000;
	s19 =	simm.s32 @!p0 $0x80;
	s14 =	sadd.s32 @!p0 $0x400, s8  }
0x9d: {  	[tilespmem:s20], [sflag:$0x1] =	stream.indirect.gather @!p0 [spmem:s3], $0x10, s14, s19, $0xb8;
	[tilespmem:$0x12E00] =	vst v63  }
0x9e: {  	s14 =	simm.s32 @!p0 $0x6  }
0x9f: {  	_ =	swait.ge @!p0 [sflag:s14], $0x800  }
0xa0: {  	[sflag:s14] =	ssyncset.done @!p0 $0x0  }
0xa1: {  	s20 =	simm.s32 @!p0 $0x7800;
	[sflag:s14] =	ssyncadd.s32 @!p0 $0xFFFFF800;
	s14 =	sadd.s32 @!p0 $0x2A80, s8  }
0xa2: {  	[spmem:s2] =	stream.indirect.scatter.add.f32 @!p0 [tilespmem:s20], [sflag:$0xE], $0x10, s14, s19, $0xb8;
	[tilespmem:$0x12E00] =	vst v63  }
0xa3: {  	s14 =	simm.s32 @!p0 $0xA  }
0xa4: {  	_ =	swait.ge @!p0 [sflag:s14], $0x800  }
0xa5: {  	[sflag:s14] =	ssyncset.done @!p0 $0x0  }
0xa6: {  	s8 =	sadd.s32 @!p0 $0x480, s8;
	[sflag:s14] =	ssyncadd.s32 @!p0 $0xFFFFF800;
	s14 =	simm.s32 @!p0 $0x5800  }
0xa7: {  	[tilespmem:s14], [sflag:$0x2] =	stream.indirect.gather @!p0 [spmem:s3], $0x10, s8, s19, $0xb8;
	[tilespmem:$0x12E00] =	vst v63  }
0xa8: {  	_ =	swait.ge [sflag:s15], $0x800  }
0xa9: {  	[sflag:s15] =	ssyncset.done $0x0  }
.Ltmp3:
0xaa: {  	s20 =	sadd.s32 $0x2B00, s24;
	[sflag:s15] =	ssyncadd.s32 $0xFFFFF800;
	(pc) =	sbr.rel @p0 .LBB2_6-.Ltmp3, $4  }
0xab: {  	[spmem:s2] =	stream.indirect.scatter.add.f32 [tilespmem:s5], [sflag:$0xF], $0x10, s20, s25, $0xb8;
	[tilespmem:$0x12E00] =	vst v63  }
0xac: {  	_ =	swait.ge [sflag:s11], $0x800  }
0xad: {  	[sflag:s11] =	ssyncset.done $0x0  }
0xae: {  	s14 =	sadd.s32 $0x2B80, s24;
	[sflag:s11] =	ssyncadd.s32 $0xFFFFF800  }
0xaf: {  	s8 =	sadd.s32 $0x500, s24  }
0xb0: {  	[tilespmem:s30], [sflag:$0x3] =	stream.indirect.gather [spmem:s3], $0x10, s8, s25, $0xb8;
	[tilespmem:$0x12E00] =	vst v63  }
0xb1: {  	_ =	swait.ge [sflag:s12], $0x800  }
0xb2: {  	[sflag:s12] =	ssyncset.done $0x0  }
0xb3: {  	[sflag:s12] =	ssyncadd.s32 $0xFFFFF800  }
0xb4: {  	[spmem:s2] =	stream.indirect.scatter.add.f32 [tilespmem:s7], [sflag:$0x10], $0x10, s14, s25, $0xb8;
	[tilespmem:$0x12E00] =	vst v63  }
.Ltmp4:
0xb5: {  	_ = 	snop;
	(pc) =	sbr.rel .LBB2_4-.Ltmp4, $4  }
0xb6: {  	_ =	swait.ge [sflag:s13], $0x800  }
0xb7: {  	[sflag:s13] =	ssyncset.done $0x0  }
0xb8: {  	s24 =	sadd.s32 $0x580, s24;
	s23 =	sadd.s32 $0x1000, s23;
	[sflag:s13] =	ssyncadd.s32 $0xFFFFF800  }
0xb9: {  	[tilespmem:s1], [sflag:$0x4] =	stream.indirect.gather [spmem:s3], $0x10, s24, s25, $0xb8;
	[tilespmem:$0x12E00] =	vst v63  }
.LBB2_7:
0xba: {  	_ =	sfence.sel $0x180000  }
0xbb: {  	[bflag:$0x0] =	sbarrier.arrive $0xFFFF  }
0xbc: {  	_ =	strace $0x9000004A  }
0xbd: {  	s0 =	stileid.u32;
	[bflag:$0x2] =	sbarrier.arrive $0xFFFF  }
0xbe: {  	p0 =	sne.s32 s0, $0x0;
	s0 =	rddreg [dreg:$0x3]  }
0xbf: {  	s0 =	sadd.s32 @!p0 $0x100000, s0  }
0xc0: {  	[sflag:s0] =	ssyncadd.tile.s32 @!p0 $0x1;
	_ =	shalt  }
.Lfunc_end2:
_tile_overlayer_lowered:
.L_overlay_start_2:
0xc1: {  	(tag) =	ssettag $0x2  }
0xc2: {  	s0 =	rddreg [dreg:$0x0];
	s2 =	stileid.u32  }
0xc3: {  	s1 =	rddreg [dreg:$0x1];
	p0 =	sne.s32 s2, $0x0  }
0xc4: {  	s3 =	rddreg [dreg:$0x2];
	[bflag:$0x3] =	sbarrier.arrive $0xFFFF;
	s2 =	simm.s32 @!p0 $0x1C16  }
0xc5: {  	[timem:s3], [sflag:s2] =	dma.local @!p0 [hbm:s0], s1  }
0xc6: {  	s0 =	simm.s32 @!p0 $0x16  }
0xc7: {  	_ =	swait.ge @!p0 [sflag:s0], s1  }
0xc8: {  	s1 =	ssub.s32 @!p0 $0x0, s1;
	[sflag:s0] =	ssyncset.done @!p0 $0x0  }
0xc9: {  	[sflag:s0] =	ssyncadd.s32 @!p0 s1  }
0xca: {  	[bflag:$0x3] =	sbarrier.arrive $0xFFFF  }
0xcb: {  	_ =	shalt  }

</sc_bundles>
